<compile_context>
chip_gen: v7x
topology: tpu7x:2x2x1
jax: 0.10.2.dev20260603
libtpu: 0.0.44.dev20260713+nightly
codegen_flags: <defaults>
</compile_context>

<pallas_src>
import functools

import jax
import jax.numpy as jnp
from jax import lax
from jax.experimental import pallas as pl
from jax.experimental.pallas import tpu as pltpu
from jax.experimental.pallas import tpu_sc as plsc

DIM = 2048
N_EXPERTS = 64
TOP_K = 6
LANES = 16

BT = 1024
N_WORKERS = 32


def _mm_softmax_body(x_ref, w_ref, p_ref):
    sT = jax.lax.dot_general(
        w_ref[...], x_ref[...], (((1,), (1,)), ((), ())),
        preferred_element_type=jnp.float32,
    )
    m = jnp.max(sT, axis=0, keepdims=True)
    e = jnp.exp(sT - m)
    pT = e / jnp.sum(e, axis=0, keepdims=True)
    p_ref[...] = pT.T


def _tc_probs(x, weight):
    n = x.shape[0]
    return pl.pallas_call(
        _mm_softmax_body,
        grid=(n // BT,),
        in_specs=[
            pl.BlockSpec((BT, DIM), lambda i: (i, 0)),
            pl.BlockSpec((N_EXPERTS, DIM), lambda i: (0, 0)),
        ],
        out_specs=pl.BlockSpec((BT, N_EXPERTS), lambda i: (i, 0)),
        out_shape=jax.ShapeDtypeStruct((n, N_EXPERTS), jnp.float32),
    )(x, weight)


def _sc_topk_body(rows_per, p_hbm, bias_hbm, wout_hbm, iout_hbm,
                  p_v, bias_v, w_v, i_v, sem0, sem1):
    wid = lax.axis_index("s") * 2 + lax.axis_index("c")
    base = wid * rows_per
    half = rows_per // 2
    cp0 = pltpu.async_copy(
        p_hbm.at[pl.ds(base, half)], p_v.at[pl.ds(0, half)], sem0)
    cp1 = pltpu.async_copy(
        p_hbm.at[pl.ds(base + half, half)], p_v.at[pl.ds(half, half)], sem1)
    pltpu.sync_copy(bias_hbm, bias_v)
    biases = [bias_v[pl.ds(LANES * j, LANES)] for j in range(4)]
    iotas = [lax.iota(jnp.int32, LANES) + LANES * j for j in range(4)]

    iota = lax.iota(jnp.int32, LANES)
    lo8 = iota < 8
    shf1 = jnp.where(lo8, 7 - iota, 0)
    shf2 = jnp.where(lo8, 0, iota - 8)
    shf3 = 15 - iota

    def _take(x, idx):
        return x.at[idx].get(mode="promise_in_bounds")

    def row_fn(r):
        segs = [p_v[r, pl.ds(LANES * j, LANES)] for j in range(4)]
        kv = [
            plsc.sort_key_val(segs[j] + biases[j], iotas[j], descending=True)
            for j in range(4)
        ]
        (k0, v0), (k1, v1), (k2, v2), (k3, v3) = kv
        g1k, g1v = _take(k1, shf1), _take(v1, shf1)
        g2k, g2v = _take(k2, shf2), _take(v2, shf2)
        g3k, g3v = _take(k3, shf3), _take(v3, shf3)
        t01 = k0 >= g1k
        ak, av = jnp.where(t01, k0, g1k), jnp.where(t01, v0, g1v)
        t23 = g2k >= g3k
        bk, bv = jnp.where(t23, g2k, g3k), jnp.where(t23, g2v, g3v)
        ck, cv = jnp.where(lo8, ak, bk), jnp.where(lo8, av, bv)
        _, vf = plsc.sort_key_val(ck, cv, descending=True)
        rvec = jnp.full((LANES,), r, jnp.int32)
        w_v[r, :] = plsc.load_gather(p_v, [rvec, vf])
        i_v[r, :] = vf

    cp0.wait()
    plsc.parallel_loop(0, half, unroll=2)(row_fn)
    cp1.wait()
    plsc.parallel_loop(half, rows_per, unroll=2)(row_fn)
    pltpu.sync_copy(w_v, wout_hbm.at[pl.ds(base, rows_per)])
    pltpu.sync_copy(i_v, iout_hbm.at[pl.ds(base, rows_per)])


def _sc_topk(probs, bias):
    n = probs.shape[0]
    rows_per = n // N_WORKERS
    mesh = plsc.VectorSubcoreMesh(core_axis_name="c", subcore_axis_name="s")
    return pl.kernel(
        functools.partial(_sc_topk_body, rows_per),
        out_type=[
            jax.ShapeDtypeStruct((n, LANES), jnp.float32),
            jax.ShapeDtypeStruct((n, LANES), jnp.int32),
        ],
        mesh=mesh,
        scratch_types=[
            pltpu.VMEM((rows_per, N_EXPERTS), jnp.float32),
            pltpu.VMEM((N_EXPERTS,), jnp.float32),
            pltpu.VMEM((rows_per, LANES), jnp.float32),
            pltpu.VMEM((rows_per, LANES), jnp.int32),
            pltpu.SemaphoreType.DMA,
            pltpu.SemaphoreType.DMA,
        ],
        compiler_params=pltpu.CompilerParams(needs_layout_passes=False),
    )(probs, bias)


@jax.jit
def kernel(x, weight, bias):
    probs = _tc_probs(x, weight)
    wpad, ipad = _sc_topk(probs, bias)
    return wpad[:, :TOP_K].astype(x.dtype), ipad[:, :TOP_K]

# --- scband reference (transcript-rebuilt; emitter-appended) ---
"""Pipeline reference for scband-gate-24498493456498 (READ-ONLY COPY).

The authoritative reference and input builder live on the scoring server;
editing this copy changes nothing except your own understanding.
"""

import jax, jax.numpy as jnp
import numpy as np

DIM = 2048
N_EXPERTS = 64
TOP_K = 6
ROUTE_SCALE = 1.0
N_TOKENS = 8192


def setup_inputs(seed: int = 0) -> dict:
    key = jax.random.key(seed)
    k1, k2 = jax.random.split(key, 2)
    x = jax.random.normal(k1, (N_TOKENS, DIM), dtype=jnp.float32)
    weight = jax.random.normal(k2, (N_EXPERTS, DIM), dtype=jnp.float32) * 0.02
    bias = jnp.zeros((N_EXPERTS,), dtype=jnp.float32)
    return {"x": x, "weight": weight, "bias": bias}


def reference(x, weight, bias):
    # scores = F.linear(x, weight) -> x @ weight.T
    scores = jnp.dot(x, weight.T)
    # score_func == 'softmax', computed in float32
    scores = jax.nn.softmax(scores.astype(jnp.float32), axis=-1)
    original_scores = scores
    # bias added to routing scores (affects selection only)
    scores = scores + bias
    # top-k selection on biased scores
    _, indices = jax.lax.top_k(scores, TOP_K)
    # gather original (unbiased) scores at selected experts
    weights = jnp.take_along_axis(original_scores, indices, axis=1)
    weights = weights * ROUTE_SCALE
    return (weights.astype(x.dtype), indices)

if __name__ == "__main__":
    import jax
    _d = setup_inputs()
    print(jax.jit(kernel)(*tuple(_d.values())))

</pallas_src>

<mosaic_0001>
#map = affine_map<(d0, d1) -> (0, 0)>
#map1 = affine_map<(d0, d1) -> (0)>
module attributes {stable_mosaic.version = 14 : i64} {
  func.func @_sc_topk_body(%arg0: i32, %arg1: i32, %arg2: memref<8192x64xf32, #tpu.memory_space<hbm>>, %arg3: memref<64xf32, #tpu.memory_space<hbm>>, %arg4: memref<8192x16xf32, #tpu.memory_space<hbm>>, %arg5: memref<8192x16xi32, #tpu.memory_space<hbm>>, %arg6: memref<256x64xf32, #tpu.memory_space<vmem>>, %arg7: memref<64xf32, #tpu.memory_space<vmem>>, %arg8: memref<256x16xf32, #tpu.memory_space<vmem>>, %arg9: memref<256x16xi32, #tpu.memory_space<vmem>>, %arg10: memref<!tpu.dma_semaphore, #tpu.memory_space<semaphore_mem>>, %arg11: memref<!tpu.dma_semaphore, #tpu.memory_space<semaphore_mem>>) attributes {dimension_semantics = [#tpu.dimension_semantics<core_parallel>, #tpu.dimension_semantics<subcore_parallel>], iteration_bounds = array<i64: 2, 16>, scalar_prefetch = 0 : i64, scratch_operands = 6 : i64, tpu.core_type = #tpu.core_type<sc_vector_subcore>, window_params = [{transform_indices = #map}, {transform_indices = #map1}, {transform_indices = #map}, {transform_indices = #map}]} {
    %mul3A = arith.constant 2 : i32
    %mul3A_0 = arith.muli %arg1, %mul3A : i32
    %add3A = arith.addi %mul3A_0, %arg0 : i32
    %mul3A_1 = arith.constant 256 : i32
    %mul3A_2 = arith.muli %add3A, %mul3A_1 : i32
    %dma_start3A = arith.constant 0 : i32
    %dma_start3A_3 = arith.constant 0 : i32
    %dma_start3A_4 = tpu.memref_slice %arg6[%dma_start3A, %dma_start3A_3] : memref<256x64xf32, #tpu.memory_space<vmem>> -> memref<128x64xf32, #tpu.memory_space<vmem>>
    %dma_start3A_5 = arith.constant 0 : i32
    %dma_start3A_6 = tpu.memref_slice %arg2[%mul3A_2, %dma_start3A_5] : memref<8192x64xf32, #tpu.memory_space<hbm>> -> memref<128x64xf32, #tpu.memory_space<hbm>>
    %dma_start3A_7 = arith.constant 0 : i32
    %dma_start3A_8 = arith.constant 0 : i32
    %dma_start3A_9 = tpu.memref_slice %arg6[%dma_start3A_7, %dma_start3A_8] : memref<256x64xf32, #tpu.memory_space<vmem>> -> memref<128x64xf32, #tpu.memory_space<vmem>>
    %dma_start3A_10 = arith.constant 0 : i32
    %dma_start3A_11 = tpu.memref_slice %arg2[%mul3A_2, %dma_start3A_10] : memref<8192x64xf32, #tpu.memory_space<hbm>> -> memref<128x64xf32, #tpu.memory_space<hbm>>
    tpu.enqueue_dma source(%dma_start3A_11 : memref<128x64xf32, #tpu.memory_space<hbm>>) target(%dma_start3A_9 : memref<128x64xf32, #tpu.memory_space<vmem>>) target_semaphore(%arg10 : memref<!tpu.dma_semaphore, #tpu.memory_space<semaphore_mem>>)
    %add3A_12 = arith.constant 128 : i32
    %add3A_13 = arith.addi %mul3A_2, %add3A_12 : i32
    %dma_start3A_14 = arith.constant 128 : i32
    %dma_start3A_15 = arith.constant 0 : i32
    %dma_start3A_16 = tpu.memref_slice %arg6[%dma_start3A_14, %dma_start3A_15] : memref<256x64xf32, #tpu.memory_space<vmem>> -> memref<128x64xf32, #tpu.memory_space<vmem>>
    %dma_start3A_17 = arith.constant 0 : i32
    %dma_start3A_18 = tpu.memref_slice %arg2[%add3A_13, %dma_start3A_17] : memref<8192x64xf32, #tpu.memory_space<hbm>> -> memref<128x64xf32, #tpu.memory_space<hbm>>
    %dma_start3A_19 = arith.constant 128 : i32
    %dma_start3A_20 = arith.constant 0 : i32
    %dma_start3A_21 = tpu.memref_slice %arg6[%dma_start3A_19, %dma_start3A_20] : memref<256x64xf32, #tpu.memory_space<vmem>> -> memref<128x64xf32, #tpu.memory_space<vmem>>
    %dma_start3A_22 = arith.constant 0 : i32
    %dma_start3A_23 = tpu.memref_slice %arg2[%add3A_13, %dma_start3A_22] : memref<8192x64xf32, #tpu.memory_space<hbm>> -> memref<128x64xf32, #tpu.memory_space<hbm>>
    tpu.enqueue_dma source(%dma_start3A_23 : memref<128x64xf32, #tpu.memory_space<hbm>>) target(%dma_start3A_21 : memref<128x64xf32, #tpu.memory_space<vmem>>) target_semaphore(%arg11 : memref<!tpu.dma_semaphore, #tpu.memory_space<semaphore_mem>>)
    "tpu.region"() ({
      %run_scoped3A = tpu.sem_alloc : memref<!tpu.dma_semaphore, #tpu.memory_space<semaphore_mem>>
      tpu.enqueue_dma source(%arg3 : memref<64xf32, #tpu.memory_space<hbm>>) target(%arg7 : memref<64xf32, #tpu.memory_space<vmem>>) target_semaphore(%run_scoped3A : memref<!tpu.dma_semaphore, #tpu.memory_space<semaphore_mem>>)
      tpu.wait_dma2 semaphore(%run_scoped3A : memref<!tpu.dma_semaphore, #tpu.memory_space<semaphore_mem>>) src(%arg3 : memref<64xf32, #tpu.memory_space<hbm>>) dst(%arg7 : memref<64xf32, #tpu.memory_space<vmem>>)
      tpu.yield
    }) : () -> ()
    %get3A = arith.constant 0 : index
    %get3A_24 = tpu.vector_load %arg7[%get3A] {strides = array<i32>} : memref<64xf32, #tpu.memory_space<vmem>>, vector<16xf32>,
    %get3A_25 = arith.constant 16 : index
    %get3A_26 = tpu.vector_load %arg7[%get3A_25] {strides = array<i32>} : memref<64xf32, #tpu.memory_space<vmem>>, vector<16xf32>,
    %get3A_27 = arith.constant 32 : index
    %get3A_28 = tpu.vector_load %arg7[%get3A_27] {strides = array<i32>} : memref<64xf32, #tpu.memory_space<vmem>>, vector<16xf32>,
    %get3A_29 = arith.constant 48 : index
    %get3A_30 = tpu.vector_load %arg7[%get3A_29] {strides = array<i32>} : memref<64xf32, #tpu.memory_space<vmem>>, vector<16xf32>,
    %iota3A = tpu.iota {dimensions = array<i32: 0>} : vector<16xi32>
    %add3A_31 = arith.constant 0 : i32
    %add3A_32 = vector.broadcast %add3A_31 : i32 to vector<16xi32>
    %add3A_33 = arith.addi %iota3A, %add3A_32 : vector<16xi32>
    %iota3A_34 = tpu.iota {dimensions = array<i32: 0>} : vector<16xi32>
    %add3A_35 = arith.constant 16 : i32
    %add3A_36 = vector.broadcast %add3A_35 : i32 to vector<16xi32>
    %add3A_37 = arith.addi %iota3A_34, %add3A_36 : vector<16xi32>
    %iota3A_38 = tpu.iota {dimensions = array<i32: 0>} : vector<16xi32>
    %add3A_39 = arith.constant 32 : i32
    %add3A_40 = vector.broadcast %add3A_39 : i32 to vector<16xi32>
    %add3A_41 = arith.addi %iota3A_38, %add3A_40 : vector<16xi32>
    %iota3A_42 = tpu.iota {dimensions = array<i32: 0>} : vector<16xi32>
    %add3A_43 = arith.constant 48 : i32
    %add3A_44 = vector.broadcast %add3A_43 : i32 to vector<16xi32>
    %add3A_45 = arith.addi %iota3A_42, %add3A_44 : vector<16xi32>
    %iota3A_46 = tpu.iota {dimensions = array<i32: 0>} : vector<16xi32>
    %lt3A = arith.constant 8 : i32
    %lt3A_47 = vector.broadcast %lt3A : i32 to vector<16xi32>
    %lt3A_48 = arith.cmpi slt, %iota3A_46, %lt3A_47 : vector<16xi32>
    %sub3A = arith.constant 7 : i32
    %sub3A_49 = vector.broadcast %sub3A : i32 to vector<16xi32>
    %sub3A_50 = arith.subi %sub3A_49, %iota3A_46 : vector<16xi32>
    %jit3A = arith.constant 0 : i32
    %broadcast_in_dim3A = vector.broadcast %jit3A : i32 to vector<16xi32>
    %select_n3A = arith.select %lt3A_48, %sub3A_50, %broadcast_in_dim3A : vector<16xi1>, vector<16xi32>
    %sub3A_51 = arith.constant 8 : i32
    %sub3A_52 = vector.broadcast %sub3A_51 : i32 to vector<16xi32>
    %sub3A_53 = arith.subi %iota3A_46, %sub3A_52 : vector<16xi32>
    %jit3A_54 = arith.constant 0 : i32
    %broadcast_in_dim3A_55 = vector.broadcast %jit3A_54 : i32 to vector<16xi32>
    %select_n3A_56 = arith.select %lt3A_48, %broadcast_in_dim3A_55, %sub3A_53 : vector<16xi1>, vector<16xi32>
    %sub3A_57 = arith.constant 15 : i32
    %sub3A_58 = vector.broadcast %sub3A_57 : i32 to vector<16xi32>
    %sub3A_59 = arith.subi %sub3A_58, %iota3A_46 : vector<16xi32>
    %dma_wait3A = arith.constant 0 : i32
    %dma_wait3A_60 = arith.constant 0 : i32
    %dma_wait3A_61 = tpu.memref_slice %arg6[%dma_wait3A, %dma_wait3A_60] : memref<256x64xf32, #tpu.memory_space<vmem>> -> memref<128x64xf32, #tpu.memory_space<vmem>>
    %dma_wait3A_62 = arith.constant 0 : i32
    %dma_wait3A_63 = tpu.memref_slice %arg2[%mul3A_2, %dma_wait3A_62] : memref<8192x64xf32, #tpu.memory_space<hbm>> -> memref<128x64xf32, #tpu.memory_space<hbm>>
    %dma_wait3A_64 = arith.constant 0 : i32
    %dma_wait3A_65 = arith.constant 0 : i32
    %dma_wait3A_66 = tpu.memref_slice %arg6[%dma_wait3A_64, %dma_wait3A_65] : memref<256x64xf32, #tpu.memory_space<vmem>> -> memref<128x64xf32, #tpu.memory_space<vmem>>
    %dma_wait3A_67 = arith.constant 0 : i32
    %dma_wait3A_68 = tpu.memref_slice %arg2[%mul3A_2, %dma_wait3A_67] : memref<8192x64xf32, #tpu.memory_space<hbm>> -> memref<128x64xf32, #tpu.memory_space<hbm>>
    tpu.wait_dma2 semaphore(%arg10 : memref<!tpu.dma_semaphore, #tpu.memory_space<semaphore_mem>>) src(%dma_wait3A_68 : memref<128x64xf32, #tpu.memory_space<hbm>>) dst(%dma_wait3A_66 : memref<128x64xf32, #tpu.memory_space<vmem>>)
    %parallel_loop3A = arith.constant 0 : i32
    %parallel_loop3A_69 = arith.constant 128 : i32
    %parallel_loop3A_70 = arith.constant 1 : i32
    scf.for %parallel_loop3A_84 = %parallel_loop3A to %parallel_loop3A_69 step %parallel_loop3A_70  : i32 {
      %parallel_loop3A_85 = arith.index_cast %parallel_loop3A_84 : i32 to index
      %parallel_loop3A_86 = arith.constant 0 : index
      %parallel_loop3A_87 = tpu.vector_load %arg6[%parallel_loop3A_85, %parallel_loop3A_86] {strides = array<i32>} : memref<256x64xf32, #tpu.memory_space<vmem>>, vector<16xf32>,
      %parallel_loop3A_88 = arith.index_cast %parallel_loop3A_84 : i32 to index
      %parallel_loop3A_89 = arith.constant 16 : index
      %parallel_loop3A_90 = tpu.vector_load %arg6[%parallel_loop3A_88, %parallel_loop3A_89] {strides = array<i32>} : memref<256x64xf32, #tpu.memory_space<vmem>>, vector<16xf32>,
      %parallel_loop3A_91 = arith.index_cast %parallel_loop3A_84 : i32 to index
      %parallel_loop3A_92 = arith.constant 32 : index
      %parallel_loop3A_93 = tpu.vector_load %arg6[%parallel_loop3A_91, %parallel_loop3A_92] {strides = array<i32>} : memref<256x64xf32, #tpu.memory_space<vmem>>, vector<16xf32>,
      %parallel_loop3A_94 = arith.index_cast %parallel_loop3A_84 : i32 to index
      %parallel_loop3A_95 = arith.constant 48 : index
      %parallel_loop3A_96 = tpu.vector_load %arg6[%parallel_loop3A_94, %parallel_loop3A_95] {strides = array<i32>} : memref<256x64xf32, #tpu.memory_space<vmem>>, vector<16xf32>,
      %parallel_loop3A_97 = arith.addf %parallel_loop3A_87, %get3A_24 : vector<16xf32>
      %parallel_loop3A_98 = arith.constant dense<true> : vector<16xi1>
      %parallel_loop3A_99, %parallel_loop3A_100, %parallel_loop3A_101 = tpu.sort %parallel_loop3A_97, %add3A_33 masked %parallel_loop3A_98 {descending = true} : (vector<16xf32>, vector<16xi32>, vector<16xi1>) -> (vector<16xi1>, vector<16xf32>, vector<16xi32>)
      %parallel_loop3A_102 = arith.addf %parallel_loop3A_90, %get3A_26 : vector<16xf32>
      %parallel_loop3A_103 = arith.constant dense<true> : vector<16xi1>
      %parallel_loop3A_104, %parallel_loop3A_105, %parallel_loop3A_106 = tpu.sort %parallel_loop3A_102, %add3A_37 masked %parallel_loop3A_103 {descending = true} : (vector<16xf32>, vector<16xi32>, vector<16xi1>) -> (vector<16xi1>, vector<16xf32>, vector<16xi32>)
      %parallel_loop3A_107 = arith.addf %parallel_loop3A_93, %get3A_28 : vector<16xf32>
      %parallel_loop3A_108 = arith.constant dense<true> : vector<16xi1>
      %parallel_loop3A_109, %parallel_loop3A_110, %parallel_loop3A_111 = tpu.sort %parallel_loop3A_107, %add3A_41 masked %parallel_loop3A_108 {descending = true} : (vector<16xf32>, vector<16xi32>, vector<16xi1>) -> (vector<16xi1>, vector<16xf32>, vector<16xi32>)
      %parallel_loop3A_112 = arith.addf %parallel_loop3A_96, %get3A_30 : vector<16xf32>
      %parallel_loop3A_113 = arith.constant dense<true> : vector<16xi1>
      %parallel_loop3A_114, %parallel_loop3A_115, %parallel_loop3A_116 = tpu.sort %parallel_loop3A_112, %add3A_45 masked %parallel_loop3A_113 {descending = true} : (vector<16xf32>, vector<16xi32>, vector<16xi1>) -> (vector<16xi1>, vector<16xf32>, vector<16xi32>)
      %parallel_loop3A_117 = arith.constant 0 : i32
      %parallel_loop3A_118 = vector.broadcast %parallel_loop3A_117 : i32 to vector<16xi32>
      %parallel_loop3A_119 = arith.cmpi slt, %select_n3A, %parallel_loop3A_118 : vector<16xi32>
      %parallel_loop3A_120 = arith.constant 16 : i32
      %parallel_loop3A_121 = vector.broadcast %parallel_loop3A_120 : i32 to vector<16xi32>
      %parallel_loop3A_122 = arith.addi %select_n3A, %parallel_loop3A_121 : vector<16xi32>
      %parallel_loop3A_123 = arith.select %parallel_loop3A_119, %parallel_loop3A_122, %select_n3A : vector<16xi1>, vector<16xi32>
      %parallel_loop3A_124 = vector.shape_cast %parallel_loop3A_123 : vector<16xi32> to vector<16x1xi32>
      %parallel_loop3A_125 = vector.shape_cast %parallel_loop3A_124 : vector<16x1xi32> to vector<16xi32>
      %parallel_loop3A_126 = tpu.dynamic_gather %parallel_loop3A_105[%parallel_loop3A_125] in [0] : vector<16xf32>, vector<16xi32> -> vector<16xf32>
      %parallel_loop3A_127 = arith.constant 0 : i32
      %parallel_loop3A_128 = vector.broadcast %parallel_loop3A_127 : i32 to vector<16xi32>
      %parallel_loop3A_129 = arith.cmpi slt, %select_n3A, %parallel_loop3A_128 : vector<16xi32>
      %parallel_loop3A_130 = arith.constant 16 : i32
      %parallel_loop3A_131 = vector.broadcast %parallel_loop3A_130 : i32 to vector<16xi32>
      %parallel_loop3A_132 = arith.addi %select_n3A, %parallel_loop3A_131 : vector<16xi32>
      %parallel_loop3A_133 = arith.select %parallel_loop3A_129, %parallel_loop3A_132, %select_n3A : vector<16xi1>, vector<16xi32>
      %parallel_loop3A_134 = vector.shape_cast %parallel_loop3A_133 : vector<16xi32> to vector<16x1xi32>
      %parallel_loop3A_135 = vector.shape_cast %parallel_loop3A_134 : vector<16x1xi32> to vector<16xi32>
      %parallel_loop3A_136 = tpu.dynamic_gather %parallel_loop3A_106[%parallel_loop3A_135] in [0] : vector<16xi32>, vector<16xi32> -> vector<16xi32>
      %parallel_loop3A_137 = arith.constant 0 : i32
      %parallel_loop3A_138 = vector.broadcast %parallel_loop3A_137 : i32 to vector<16xi32>
      %parallel_loop3A_139 = arith.cmpi slt, %select_n3A_56, %parallel_loop3A_138 : vector<16xi32>
      %parallel_loop3A_140 = arith.constant 16 : i32
      %parallel_loop3A_141 = vector.broadcast %parallel_loop3A_140 : i32 to vector<16xi32>
      %parallel_loop3A_142 = arith.addi %select_n3A_56, %parallel_loop3A_141 : vector<16xi32>
      %parallel_loop3A_143 = arith.select %parallel_loop3A_139, %parallel_loop3A_142, %select_n3A_56 : vector<16xi1>, vector<16xi32>
      %parallel_loop3A_144 = vector.shape_cast %parallel_loop3A_143 : vector<16xi32> to vector<16x1xi32>
      %parallel_loop3A_145 = vector.shape_cast %parallel_loop3A_144 : vector<16x1xi32> to vector<16xi32>
      %parallel_loop3A_146 = tpu.dynamic_gather %parallel_loop3A_110[%parallel_loop3A_145] in [0] : vector<16xf32>, vector<16xi32> -> vector<16xf32>
      %parallel_loop3A_147 = arith.constant 0 : i32
      %parallel_loop3A_148 = vector.broadcast %parallel_loop3A_147 : i32 to vector<16xi32>
      %parallel_loop3A_149 = arith.cmpi slt, %select_n3A_56, %parallel_loop3A_148 : vector<16xi32>
      %parallel_loop3A_150 = arith.constant 16 : i32
      %parallel_loop3A_151 = vector.broadcast %parallel_loop3A_150 : i32 to vector<16xi32>
      %parallel_loop3A_152 = arith.addi %select_n3A_56, %parallel_loop3A_151 : vector<16xi32>
      %parallel_loop3A_153 = arith.select %parallel_loop3A_149, %parallel_loop3A_152, %select_n3A_56 : vector<16xi1>, vector<16xi32>
      %parallel_loop3A_154 = vector.shape_cast %parallel_loop3A_153 : vector<16xi32> to vector<16x1xi32>
      %parallel_loop3A_155 = vector.shape_cast %parallel_loop3A_154 : vector<16x1xi32> to vector<16xi32>
      %parallel_loop3A_156 = tpu.dynamic_gather %parallel_loop3A_111[%parallel_loop3A_155] in [0] : vector<16xi32>, vector<16xi32> -> vector<16xi32>
      %parallel_loop3A_157 = arith.constant 0 : i32
      %parallel_loop3A_158 = vector.broadcast %parallel_loop3A_157 : i32 to vector<16xi32>
      %parallel_loop3A_159 = arith.cmpi slt, %sub3A_59, %parallel_loop3A_158 : vector<16xi32>
      %parallel_loop3A_160 = arith.constant 16 : i32
      %parallel_loop3A_161 = vector.broadcast %parallel_loop3A_160 : i32 to vector<16xi32>
      %parallel_loop3A_162 = arith.addi %sub3A_59, %parallel_loop3A_161 : vector<16xi32>
      %parallel_loop3A_163 = arith.select %parallel_loop3A_159, %parallel_loop3A_162, %sub3A_59 : vector<16xi1>, vector<16xi32>
      %parallel_loop3A_164 = vector.shape_cast %parallel_loop3A_163 : vector<16xi32> to vector<16x1xi32>
      %parallel_loop3A_165 = vector.shape_cast %parallel_loop3A_164 : vector<16x1xi32> to vector<16xi32>
      %parallel_loop3A_166 = tpu.dynamic_gather %parallel_loop3A_115[%parallel_loop3A_165] in [0] : vector<16xf32>, vector<16xi32> -> vector<16xf32>
      %parallel_loop3A_167 = arith.constant 0 : i32
      %parallel_loop3A_168 = vector.broadcast %parallel_loop3A_167 : i32 to vector<16xi32>
      %parallel_loop3A_169 = arith.cmpi slt, %sub3A_59, %parallel_loop3A_168 : vector<16xi32>
      %parallel_loop3A_170 = arith.constant 16 : i32
      %parallel_loop3A_171 = vector.broadcast %parallel_loop3A_170 : i32 to vector<16xi32>
      %parallel_loop3A_172 = arith.addi %sub3A_59, %parallel_loop3A_171 : vector<16xi32>
      %parallel_loop3A_173 = arith.select %parallel_loop3A_169, %parallel_loop3A_172, %sub3A_59 : vector<16xi1>, vector<16xi32>
      %parallel_loop3A_174 = vector.shape_cast %parallel_loop3A_173 : vector<16xi32> to vector<16x1xi32>
      %parallel_loop3A_175 = vector.shape_cast %parallel_loop3A_174 : vector<16x1xi32> to vector<16xi32>
      %parallel_loop3A_176 = tpu.dynamic_gather %parallel_loop3A_116[%parallel_loop3A_175] in [0] : vector<16xi32>, vector<16xi32> -> vector<16xi32>
      %parallel_loop3A_177 = arith.cmpf oge, %parallel_loop3A_100, %parallel_loop3A_126 : vector<16xf32>
      %parallel_loop3A_178 = arith.select %parallel_loop3A_177, %parallel_loop3A_100, %parallel_loop3A_126 : vector<16xi1>, vector<16xf32>
      %parallel_loop3A_179 = arith.select %parallel_loop3A_177, %parallel_loop3A_101, %parallel_loop3A_136 : vector<16xi1>, vector<16xi32>
      %parallel_loop3A_180 = arith.cmpf oge, %parallel_loop3A_146, %parallel_loop3A_166 : vector<16xf32>
      %parallel_loop3A_181 = arith.select %parallel_loop3A_180, %parallel_loop3A_146, %parallel_loop3A_166 : vector<16xi1>, vector<16xf32>
      %parallel_loop3A_182 = arith.select %parallel_loop3A_180, %parallel_loop3A_156, %parallel_loop3A_176 : vector<16xi1>, vector<16xi32>
      %parallel_loop3A_183 = arith.select %lt3A_48, %parallel_loop3A_178, %parallel_loop3A_181 : vector<16xi1>, vector<16xf32>
      %parallel_loop3A_184 = arith.select %lt3A_48, %parallel_loop3A_179, %parallel_loop3A_182 : vector<16xi1>, vector<16xi32>
      %parallel_loop3A_185 = arith.constant dense<true> : vector<16xi1>
      %parallel_loop3A_186, %parallel_loop3A_187, %parallel_loop3A_188 = tpu.sort %parallel_loop3A_183, %parallel_loop3A_184 masked %parallel_loop3A_185 {descending = true} : (vector<16xf32>, vector<16xi32>, vector<16xi1>) -> (vector<16xi1>, vector<16xf32>, vector<16xi32>)
      %parallel_loop3A_189 = vector.broadcast %parallel_loop3A_84 : i32 to vector<16xi32>
      %parallel_loop3A_190 = tpu.vector_load_idx %arg6[%parallel_loop3A_189, %parallel_loop3A_188] : memref<256x64xf32, #tpu.memory_space<vmem>>[vector<16xi32>, vector<16xi32>], vector<16xf32>,
      %parallel_loop3A_191 = arith.index_cast %parallel_loop3A_84 : i32 to index
      %parallel_loop3A_192 = arith.constant 0 : index
      %parallel_loop3A_193 = tpu.vector_load %arg8[%parallel_loop3A_191, %parallel_loop3A_192] {strides = array<i32>} : memref<256x16xf32, #tpu.memory_space<vmem>>, vector<16xf32>,
      tpu.vector_store %arg8[%parallel_loop3A_191, %parallel_loop3A_192], %parallel_loop3A_190 {strides = array<i32>} : memref<256x16xf32, #tpu.memory_space<vmem>>, vector<16xf32>,
      %parallel_loop3A_194 = arith.index_cast %parallel_loop3A_84 : i32 to index
      %parallel_loop3A_195 = arith.constant 0 : index
      %parallel_loop3A_196 = tpu.vector_load %arg9[%parallel_loop3A_194, %parallel_loop3A_195] {strides = array<i32>} : memref<256x16xi32, #tpu.memory_space<vmem>>, vector<16xi32>,
      tpu.vector_store %arg9[%parallel_loop3A_194, %parallel_loop3A_195], %parallel_loop3A_188 {strides = array<i32>} : memref<256x16xi32, #tpu.memory_space<vmem>>, vector<16xi32>,
    } {sc.loop_unroll_factor = 2 : i64, sc.parallel_access}
    %dma_wait3A_71 = arith.constant 128 : i32
    %dma_wait3A_72 = arith.constant 0 : i32
    %dma_wait3A_73 = tpu.memref_slice %arg6[%dma_wait3A_71, %dma_wait3A_72] : memref<256x64xf32, #tpu.memory_space<vmem>> -> memref<128x64xf32, #tpu.memory_space<vmem>>
    %dma_wait3A_74 = arith.constant 0 : i32
    %dma_wait3A_75 = tpu.memref_slice %arg2[%add3A_13, %dma_wait3A_74] : memref<8192x64xf32, #tpu.memory_space<hbm>> -> memref<128x64xf32, #tpu.memory_space<hbm>>
    %dma_wait3A_76 = arith.constant 128 : i32
    %dma_wait3A_77 = arith.constant 0 : i32
    %dma_wait3A_78 = tpu.memref_slice %arg6[%dma_wait3A_76, %dma_wait3A_77] : memref<256x64xf32, #tpu.memory_space<vmem>> -> memref<128x64xf32, #tpu.memory_space<vmem>>
    %dma_wait3A_79 = arith.constant 0 : i32
    %dma_wait3A_80 = tpu.memref_slice %arg2[%add3A_13, %dma_wait3A_79] : memref<8192x64xf32, #tpu.memory_space<hbm>> -> memref<128x64xf32, #tpu.memory_space<hbm>>
    tpu.wait_dma2 semaphore(%arg11 : memref<!tpu.dma_semaphore, #tpu.memory_space<semaphore_mem>>) src(%dma_wait3A_80 : memref<128x64xf32, #tpu.memory_space<hbm>>) dst(%dma_wait3A_78 : memref<128x64xf32, #tpu.memory_space<vmem>>)
    %parallel_loop3A_81 = arith.constant 128 : i32
    %parallel_loop3A_82 = arith.constant 256 : i32
    %parallel_loop3A_83 = arith.constant 1 : i32
    scf.for %parallel_loop3A_84 = %parallel_loop3A_81 to %parallel_loop3A_82 step %parallel_loop3A_83  : i32 {
      %parallel_loop3A_85 = arith.index_cast %parallel_loop3A_84 : i32 to index
      %parallel_loop3A_86 = arith.constant 0 : index
      %parallel_loop3A_87 = tpu.vector_load %arg6[%parallel_loop3A_85, %parallel_loop3A_86] {strides = array<i32>} : memref<256x64xf32, #tpu.memory_space<vmem>>, vector<16xf32>,
      %parallel_loop3A_88 = arith.index_cast %parallel_loop3A_84 : i32 to index
      %parallel_loop3A_89 = arith.constant 16 : index
      %parallel_loop3A_90 = tpu.vector_load %arg6[%parallel_loop3A_88, %parallel_loop3A_89] {strides = array<i32>} : memref<256x64xf32, #tpu.memory_space<vmem>>, vector<16xf32>,
      %parallel_loop3A_91 = arith.index_cast %parallel_loop3A_84 : i32 to index
      %parallel_loop3A_92 = arith.constant 32 : index
      %parallel_loop3A_93 = tpu.vector_load %arg6[%parallel_loop3A_91, %parallel_loop3A_92] {strides = array<i32>} : memref<256x64xf32, #tpu.memory_space<vmem>>, vector<16xf32>,
      %parallel_loop3A_94 = arith.index_cast %parallel_loop3A_84 : i32 to index
      %parallel_loop3A_95 = arith.constant 48 : index
      %parallel_loop3A_96 = tpu.vector_load %arg6[%parallel_loop3A_94, %parallel_loop3A_95] {strides = array<i32>} : memref<256x64xf32, #tpu.memory_space<vmem>>, vector<16xf32>,
      %parallel_loop3A_97 = arith.addf %parallel_loop3A_87, %get3A_24 : vector<16xf32>
      %parallel_loop3A_98 = arith.constant dense<true> : vector<16xi1>
      %parallel_loop3A_99, %parallel_loop3A_100, %parallel_loop3A_101 = tpu.sort %parallel_loop3A_97, %add3A_33 masked %parallel_loop3A_98 {descending = true} : (vector<16xf32>, vector<16xi32>, vector<16xi1>) -> (vector<16xi1>, vector<16xf32>, vector<16xi32>)
      %parallel_loop3A_102 = arith.addf %parallel_loop3A_90, %get3A_26 : vector<16xf32>
      %parallel_loop3A_103 = arith.constant dense<true> : vector<16xi1>
      %parallel_loop3A_104, %parallel_loop3A_105, %parallel_loop3A_106 = tpu.sort %parallel_loop3A_102, %add3A_37 masked %parallel_loop3A_103 {descending = true} : (vector<16xf32>, vector<16xi32>, vector<16xi1>) -> (vector<16xi1>, vector<16xf32>, vector<16xi32>)
      %parallel_loop3A_107 = arith.addf %parallel_loop3A_93, %get3A_28 : vector<16xf32>
      %parallel_loop3A_108 = arith.constant dense<true> : vector<16xi1>
      %parallel_loop3A_109, %parallel_loop3A_110, %parallel_loop3A_111 = tpu.sort %parallel_loop3A_107, %add3A_41 masked %parallel_loop3A_108 {descending = true} : (vector<16xf32>, vector<16xi32>, vector<16xi1>) -> (vector<16xi1>, vector<16xf32>, vector<16xi32>)
      %parallel_loop3A_112 = arith.addf %parallel_loop3A_96, %get3A_30 : vector<16xf32>
      %parallel_loop3A_113 = arith.constant dense<true> : vector<16xi1>
      %parallel_loop3A_114, %parallel_loop3A_115, %parallel_loop3A_116 = tpu.sort %parallel_loop3A_112, %add3A_45 masked %parallel_loop3A_113 {descending = true} : (vector<16xf32>, vector<16xi32>, vector<16xi1>) -> (vector<16xi1>, vector<16xf32>, vector<16xi32>)
      %parallel_loop3A_117 = arith.constant 0 : i32
      %parallel_loop3A_118 = vector.broadcast %parallel_loop3A_117 : i32 to vector<16xi32>
      %parallel_loop3A_119 = arith.cmpi slt, %select_n3A, %parallel_loop3A_118 : vector<16xi32>
      %parallel_loop3A_120 = arith.constant 16 : i32
      %parallel_loop3A_121 = vector.broadcast %parallel_loop3A_120 : i32 to vector<16xi32>
      %parallel_loop3A_122 = arith.addi %select_n3A, %parallel_loop3A_121 : vector<16xi32>
      %parallel_loop3A_123 = arith.select %parallel_loop3A_119, %parallel_loop3A_122, %select_n3A : vector<16xi1>, vector<16xi32>
      %parallel_loop3A_124 = vector.shape_cast %parallel_loop3A_123 : vector<16xi32> to vector<16x1xi32>
      %parallel_loop3A_125 = vector.shape_cast %parallel_loop3A_124 : vector<16x1xi32> to vector<16xi32>
      %parallel_loop3A_126 = tpu.dynamic_gather %parallel_loop3A_105[%parallel_loop3A_125] in [0] : vector<16xf32>, vector<16xi32> -> vector<16xf32>
      %parallel_loop3A_127 = arith.constant 0 : i32
      %parallel_loop3A_128 = vector.broadcast %parallel_loop3A_127 : i32 to vector<16xi32>
      %parallel_loop3A_129 = arith.cmpi slt, %select_n3A, %parallel_loop3A_128 : vector<16xi32>
      %parallel_loop3A_130 = arith.constant 16 : i32
      %parallel_loop3A_131 = vector.broadcast %parallel_loop3A_130 : i32 to vector<16xi32>
      %parallel_loop3A_132 = arith.addi %select_n3A, %parallel_loop3A_131 : vector<16xi32>
      %parallel_loop3A_133 = arith.select %parallel_loop3A_129, %parallel_loop3A_132, %select_n3A : vector<16xi1>, vector<16xi32>
      %parallel_loop3A_134 = vector.shape_cast %parallel_loop3A_133 : vector<16xi32> to vector<16x1xi32>
      %parallel_loop3A_135 = vector.shape_cast %parallel_loop3A_134 : vector<16x1xi32> to vector<16xi32>
      %parallel_loop3A_136 = tpu.dynamic_gather %parallel_loop3A_106[%parallel_loop3A_135] in [0] : vector<16xi32>, vector<16xi32> -> vector<16xi32>
      %parallel_loop3A_137 = arith.constant 0 : i32
      %parallel_loop3A_138 = vector.broadcast %parallel_loop3A_137 : i32 to vector<16xi32>
      %parallel_loop3A_139 = arith.cmpi slt, %select_n3A_56, %parallel_loop3A_138 : vector<16xi32>
      %parallel_loop3A_140 = arith.constant 16 : i32
      %parallel_loop3A_141 = vector.broadcast %parallel_loop3A_140 : i32 to vector<16xi32>
      %parallel_loop3A_142 = arith.addi %select_n3A_56, %parallel_loop3A_141 : vector<16xi32>
      %parallel_loop3A_143 = arith.select %parallel_loop3A_139, %parallel_loop3A_142, %select_n3A_56 : vector<16xi1>, vector<16xi32>
      %parallel_loop3A_144 = vector.shape_cast %parallel_loop3A_143 : vector<16xi32> to vector<16x1xi32>
      %parallel_loop3A_145 = vector.shape_cast %parallel_loop3A_144 : vector<16x1xi32> to vector<16xi32>
      %parallel_loop3A_146 = tpu.dynamic_gather %parallel_loop3A_110[%parallel_loop3A_145] in [0] : vector<16xf32>, vector<16xi32> -> vector<16xf32>
      %parallel_loop3A_147 = arith.constant 0 : i32
      %parallel_loop3A_148 = vector.broadcast %parallel_loop3A_147 : i32 to vector<16xi32>
      %parallel_loop3A_149 = arith.cmpi slt, %select_n3A_56, %parallel_loop3A_148 : vector<16xi32>
      %parallel_loop3A_150 = arith.constant 16 : i32
      %parallel_loop3A_151 = vector.broadcast %parallel_loop3A_150 : i32 to vector<16xi32>
      %parallel_loop3A_152 = arith.addi %select_n3A_56, %parallel_loop3A_151 : vector<16xi32>
      %parallel_loop3A_153 = arith.select %parallel_loop3A_149, %parallel_loop3A_152, %select_n3A_56 : vector<16xi1>, vector<16xi32>
      %parallel_loop3A_154 = vector.shape_cast %parallel_loop3A_153 : vector<16xi32> to vector<16x1xi32>
      %parallel_loop3A_155 = vector.shape_cast %parallel_loop3A_154 : vector<16x1xi32> to vector<16xi32>
      %parallel_loop3A_156 = tpu.dynamic_gather %parallel_loop3A_111[%parallel_loop3A_155] in [0] : vector<16xi32>, vector<16xi32> -> vector<16xi32>
      %parallel_loop3A_157 = arith.constant 0 : i32
      %parallel_loop3A_158 = vector.broadcast %parallel_loop3A_157 : i32 to vector<16xi32>
      %parallel_loop3A_159 = arith.cmpi slt, %sub3A_59, %parallel_loop3A_158 : vector<16xi32>
      %parallel_loop3A_160 = arith.constant 16 : i32
      %parallel_loop3A_161 = vector.broadcast %parallel_loop3A_160 : i32 to vector<16xi32>
      %parallel_loop3A_162 = arith.addi %sub3A_59, %parallel_loop3A_161 : vector<16xi32>
      %parallel_loop3A_163 = arith.select %parallel_loop3A_159, %parallel_loop3A_162, %sub3A_59 : vector<16xi1>, vector<16xi32>
      %parallel_loop3A_164 = vector.shape_cast %parallel_loop3A_163 : vector<16xi32> to vector<16x1xi32>
      %parallel_loop3A_165 = vector.shape_cast %parallel_loop3A_164 : vector<16x1xi32> to vector<16xi32>
      %parallel_loop3A_166 = tpu.dynamic_gather %parallel_loop3A_115[%parallel_loop3A_165] in [0] : vector<16xf32>, vector<16xi32> -> vector<16xf32>
      %parallel_loop3A_167 = arith.constant 0 : i32
      %parallel_loop3A_168 = vector.broadcast %parallel_loop3A_167 : i32 to vector<16xi32>
      %parallel_loop3A_169 = arith.cmpi slt, %sub3A_59, %parallel_loop3A_168 : vector<16xi32>
      %parallel_loop3A_170 = arith.constant 16 : i32
      %parallel_loop3A_171 = vector.broadcast %parallel_loop3A_170 : i32 to vector<16xi32>
      %parallel_loop3A_172 = arith.addi %sub3A_59, %parallel_loop3A_171 : vector<16xi32>
      %parallel_loop3A_173 = arith.select %parallel_loop3A_169, %parallel_loop3A_172, %sub3A_59 : vector<16xi1>, vector<16xi32>
      %parallel_loop3A_174 = vector.shape_cast %parallel_loop3A_173 : vector<16xi32> to vector<16x1xi32>
      %parallel_loop3A_175 = vector.shape_cast %parallel_loop3A_174 : vector<16x1xi32> to vector<16xi32>
      %parallel_loop3A_176 = tpu.dynamic_gather %parallel_loop3A_116[%parallel_loop3A_175] in [0] : vector<16xi32>, vector<16xi32> -> vector<16xi32>
      %parallel_loop3A_177 = arith.cmpf oge, %parallel_loop3A_100, %parallel_loop3A_126 : vector<16xf32>
      %parallel_loop3A_178 = arith.select %parallel_loop3A_177, %parallel_loop3A_100, %parallel_loop3A_126 : vector<16xi1>, vector<16xf32>
      %parallel_loop3A_179 = arith.select %parallel_loop3A_177, %parallel_loop3A_101, %parallel_loop3A_136 : vector<16xi1>, vector<16xi32>
      %parallel_loop3A_180 = arith.cmpf oge, %parallel_loop3A_146, %parallel_loop3A_166 : vector<16xf32>
      %parallel_loop3A_181 = arith.select %parallel_loop3A_180, %parallel_loop3A_146, %parallel_loop3A_166 : vector<16xi1>, vector<16xf32>
      %parallel_loop3A_182 = arith.select %parallel_loop3A_180, %parallel_loop3A_156, %parallel_loop3A_176 : vector<16xi1>, vector<16xi32>
      %parallel_loop3A_183 = arith.select %lt3A_48, %parallel_loop3A_178, %parallel_loop3A_181 : vector<16xi1>, vector<16xf32>
      %parallel_loop3A_184 = arith.select %lt3A_48, %parallel_loop3A_179, %parallel_loop3A_182 : vector<16xi1>, vector<16xi32>
      %parallel_loop3A_185 = arith.constant dense<true> : vector<16xi1>
      %parallel_loop3A_186, %parallel_loop3A_187, %parallel_loop3A_188 = tpu.sort %parallel_loop3A_183, %parallel_loop3A_184 masked %parallel_loop3A_185 {descending = true} : (vector<16xf32>, vector<16xi32>, vector<16xi1>) -> (vector<16xi1>, vector<16xf32>, vector<16xi32>)
      %parallel_loop3A_189 = vector.broadcast %parallel_loop3A_84 : i32 to vector<16xi32>
      %parallel_loop3A_190 = tpu.vector_load_idx %arg6[%parallel_loop3A_189, %parallel_loop3A_188] : memref<256x64xf32, #tpu.memory_space<vmem>>[vector<16xi32>, vector<16xi32>], vector<16xf32>,
      %parallel_loop3A_191 = arith.index_cast %parallel_loop3A_84 : i32 to index
      %parallel_loop3A_192 = arith.constant 0 : index
      %parallel_loop3A_193 = tpu.vector_load %arg8[%parallel_loop3A_191, %parallel_loop3A_192] {strides = array<i32>} : memref<256x16xf32, #tpu.memory_space<vmem>>, vector<16xf32>,
      tpu.vector_store %arg8[%parallel_loop3A_191, %parallel_loop3A_192], %parallel_loop3A_190 {strides = array<i32>} : memref<256x16xf32, #tpu.memory_space<vmem>>, vector<16xf32>,
      %parallel_loop3A_194 = arith.index_cast %parallel_loop3A_84 : i32 to index
      %parallel_loop3A_195 = arith.constant 0 : index
      %parallel_loop3A_196 = tpu.vector_load %arg9[%parallel_loop3A_194, %parallel_loop3A_195] {strides = array<i32>} : memref<256x16xi32, #tpu.memory_space<vmem>>, vector<16xi32>,
      tpu.vector_store %arg9[%parallel_loop3A_194, %parallel_loop3A_195], %parallel_loop3A_188 {strides = array<i32>} : memref<256x16xi32, #tpu.memory_space<vmem>>, vector<16xi32>,
    } {sc.loop_unroll_factor = 2 : i64, sc.parallel_access}
    "tpu.region"() ({
      %run_scoped3A = tpu.sem_alloc : memref<!tpu.dma_semaphore, #tpu.memory_space<semaphore_mem>>
      %dma_start3A_84 = arith.constant 0 : i32
      %dma_start3A_85 = tpu.memref_slice %arg4[%mul3A_2, %dma_start3A_84] : memref<8192x16xf32, #tpu.memory_space<hbm>> -> memref<256x16xf32, #tpu.memory_space<hbm>>
      %dma_start3A_86 = arith.constant 0 : i32
      %dma_start3A_87 = tpu.memref_slice %arg4[%mul3A_2, %dma_start3A_86] : memref<8192x16xf32, #tpu.memory_space<hbm>> -> memref<256x16xf32, #tpu.memory_space<hbm>>
      tpu.enqueue_dma source(%arg8 : memref<256x16xf32, #tpu.memory_space<vmem>>) target(%dma_start3A_87 : memref<256x16xf32, #tpu.memory_space<hbm>>) target_semaphore(%run_scoped3A : memref<!tpu.dma_semaphore, #tpu.memory_space<semaphore_mem>>)
      %dma_wait3A_88 = arith.constant 0 : i32
      %dma_wait3A_89 = tpu.memref_slice %arg4[%mul3A_2, %dma_wait3A_88] : memref<8192x16xf32, #tpu.memory_space<hbm>> -> memref<256x16xf32, #tpu.memory_space<hbm>>
      %dma_wait3A_90 = arith.constant 0 : i32
      %dma_wait3A_91 = tpu.memref_slice %arg4[%mul3A_2, %dma_wait3A_90] : memref<8192x16xf32, #tpu.memory_space<hbm>> -> memref<256x16xf32, #tpu.memory_space<hbm>>
      tpu.wait_dma2 semaphore(%run_scoped3A : memref<!tpu.dma_semaphore, #tpu.memory_space<semaphore_mem>>) src(%arg8 : memref<256x16xf32, #tpu.memory_space<vmem>>) dst(%dma_wait3A_91 : memref<256x16xf32, #tpu.memory_space<hbm>>)
      tpu.yield
    }) : () -> ()
    "tpu.region"() ({
      %run_scoped3A = tpu.sem_alloc : memref<!tpu.dma_semaphore, #tpu.memory_space<semaphore_mem>>
      %dma_start3A_84 = arith.constant 0 : i32
      %dma_start3A_85 = tpu.memref_slice %arg5[%mul3A_2, %dma_start3A_84] : memref<8192x16xi32, #tpu.memory_space<hbm>> -> memref<256x16xi32, #tpu.memory_space<hbm>>
      %dma_start3A_86 = arith.constant 0 : i32
      %dma_start3A_87 = tpu.memref_slice %arg5[%mul3A_2, %dma_start3A_86] : memref<8192x16xi32, #tpu.memory_space<hbm>> -> memref<256x16xi32, #tpu.memory_space<hbm>>
      tpu.enqueue_dma source(%arg9 : memref<256x16xi32, #tpu.memory_space<vmem>>) target(%dma_start3A_87 : memref<256x16xi32, #tpu.memory_space<hbm>>) target_semaphore(%run_scoped3A : memref<!tpu.dma_semaphore, #tpu.memory_space<semaphore_mem>>)
      %dma_wait3A_88 = arith.constant 0 : i32
      %dma_wait3A_89 = tpu.memref_slice %arg5[%mul3A_2, %dma_wait3A_88] : memref<8192x16xi32, #tpu.memory_space<hbm>> -> memref<256x16xi32, #tpu.memory_space<hbm>>
      %dma_wait3A_90 = arith.constant 0 : i32
      %dma_wait3A_91 = tpu.memref_slice %arg5[%mul3A_2, %dma_wait3A_90] : memref<8192x16xi32, #tpu.memory_space<hbm>> -> memref<256x16xi32, #tpu.memory_space<hbm>>
      tpu.wait_dma2 semaphore(%run_scoped3A : memref<!tpu.dma_semaphore, #tpu.memory_space<semaphore_mem>>) src(%arg9 : memref<256x16xi32, #tpu.memory_space<vmem>>) dst(%dma_wait3A_91 : memref<256x16xi32, #tpu.memory_space<hbm>>)
      tpu.yield
    }) : () -> ()
    return
  }
}

module attributes {stable_mosaic.version = 14 : i64} {
  func.func @_mm_softmax_body(%arg0: i32, %arg1: memref<1024x2048xf32, #tpu.memory_space<vmem>>, %arg2: memref<64x2048xf32, #tpu.memory_space<vmem>>, %arg3: memref<1024x64xf32, #tpu.memory_space<vmem>>) attributes {dimension_semantics = [#tpu.dimension_semantics<arbitrary>], iteration_bounds = array<i64: 8>, scalar_prefetch = 0 : i64, scratch_operands = 0 : i64, tpu.core_type = #tpu.core_type<tc>, window_params = [{transform_indices = @transform_0, window_bounds = array<i64: 1024, 2048>}, {pipeline_mode = #tpu.pipeline_mode<synchronous>, transform_indices = @transform_1, window_bounds = array<i64: 64, 2048>}, {transform_indices = @transform_2, window_bounds = array<i64: 1024, 64>}]} {
    %get3A = arith.constant 0 : index
    %get3A_0 = arith.constant 0 : index
    %get3A_1 = vector.load %arg2[%get3A, %get3A_0] : memref<64x2048xf32, #tpu.memory_space<vmem>>, vector<64x2048xf32>
    %get3A_2 = arith.constant 0 : index
    %get3A_3 = arith.constant 0 : index
    %get3A_4 = vector.load %arg1[%get3A_2, %get3A_3] : memref<1024x2048xf32, #tpu.memory_space<vmem>>, vector<1024x2048xf32>
    %dot_general3A = arith.constant dense<0.000000e+00> : vector<64x1024xf32>
    %dot_general3A_5 = tpu.matmul %get3A_1, %get3A_4, %dot_general3A {dimension_numbers = #tpu.dot_dimension_numbers<[1], [1], [0], [0], [0, 0, 1, 0], [], []>, transpose_lhs_hint = false} : vector<64x2048xf32>, vector<1024x2048xf32>, vector<64x1024xf32> -> vector<64x1024xf32>
    %reduce_max3A = arith.constant dense<0xFF800000> : vector<1024xf32>
    %reduce_max3A_6 = vector.multi_reduction <maximumf>, %dot_general3A_5, %reduce_max3A [0] : vector<64x1024xf32> to vector<1024xf32>
    %broadcast_in_dim3A = vector.shape_cast %reduce_max3A_6 : vector<1024xf32> to vector<1x1024xf32>
    %sub3A = vector.broadcast %broadcast_in_dim3A : vector<1x1024xf32> to vector<64x1024xf32>
    %sub3A_7 = arith.subf %dot_general3A_5, %sub3A : vector<64x1024xf32>
    %exp3A = math.exp %sub3A_7 : vector<64x1024xf32>
    %reduce_sum3A = arith.constant dense<0.000000e+00> : vector<1024xf32>
    %reduce_sum3A_8 = vector.multi_reduction <add>, %exp3A, %reduce_sum3A [0] : vector<64x1024xf32> to vector<1024xf32>
    %broadcast_in_dim3A_9 = vector.shape_cast %reduce_sum3A_8 : vector<1024xf32> to vector<1x1024xf32>
    %div3A = vector.broadcast %broadcast_in_dim3A_9 : vector<1x1024xf32> to vector<64x1024xf32>
    %div3A_10 = arith.divf %exp3A, %div3A : vector<64x1024xf32>
    %transpose3A = tpu.transpose %div3A_10, [1, 0] : vector<64x1024xf32> -> vector<1024x64xf32>
    %swap3A = arith.constant 0 : index
    %swap3A_11 = arith.constant 0 : index
    %swap3A_12 = vector.load %arg3[%swap3A, %swap3A_11] : memref<1024x64xf32, #tpu.memory_space<vmem>>, vector<1024x64xf32>
    tpu.vector_store %arg3[%swap3A, %swap3A_11], %transpose3A {strides = array<i32>} : memref<1024x64xf32, #tpu.memory_space<vmem>>, vector<1024x64xf32>,
    return
  }
  func.func @transform_0(%arg0: i32) -> (i32, i32) {
    %c0_i32 = arith.constant 0 : i32
    %c0_i32_0 = arith.constant 0 : i32
    return %arg0, %c0_i32 : i32, i32
  }
  func.func @transform_1(%arg0: i32) -> (i32, i32) {
    %c0_i32 = arith.constant 0 : i32
    %c0_i32_0 = arith.constant 0 : i32
    %c0_i32_1 = arith.constant 0 : i32
    return %c0_i32, %c0_i32_0 : i32, i32
  }
  func.func @transform_2(%arg0: i32) -> (i32, i32) {
    %c0_i32 = arith.constant 0 : i32
    %c0_i32_0 = arith.constant 0 : i32
    return %arg0, %c0_i32 : i32, i32
  }
}

</mosaic_0001>

<sc_bundles>
// kernel: kernel.4.cloned.1.call-start
scs
__scs_entry_jumppad:
0x0: {  	(pc) =	sbr.rel $0x88, $3  }
0x1: {  	(tag) =	ssettag $0x0;
	lr =	simm.s32 $0x1  }
0x2: {  	[smem:$0x3F9E] =	sst lr;
	_ =	strace $0xD0000000  }
0x3: {  	_ = 	snop  }
0x4: {  	_ = 	snop  }
0x5: {  	_ = 	snop  }
0x6: {  	_ = 	snop  }
0x7: {  	_ = 	snop  }
__scs_overlays_trampoline_lowered:
0x8: {  	[smem:$0x3FAD] =	sst s0  }
0x9: {  	[smem:$0x3FAE] =	sst s1  }
0xa: {  	[smem:$0x3FAF] =	sst s2  }
0xb: {  	[smem:$0x3FB0] =	sst s3  }
0xc: {  	[smem:$0x3FB1] =	sst s4  }
0xd: {  	[smem:$0x3FB2] =	sst s5  }
0xe: {  	[smem:$0x3FB3] =	sst s6  }
0xf: {  	[smem:$0x3FB4] =	sst s7  }
0x10: {  	[smem:$0x3FB5] =	sst s8  }
0x11: {  	[smem:$0x3FB6] =	sst s9;
	s0 =	simm.s32 @!p0 $0x0  }
0x12: {  	s1 =	sld [smem:$0x3F9C];
	s0 =	simm.s32 @p0 $0x1  }
0x13: {  	[smem:$0x3FB7] =	sst s0;
	s0 =	simm.s32 @!p1 $0x0  }
0x14: {  	s2 =	sld [smem:$0x3F9B];
	s0 =	simm.s32 @p1 $0x1  }
0x15: {  	[smem:$0x3FB8] =	sst s0;
	s0 =	simm.s32 @!p2 $0x0  }
0x16: {  	s3 =	sld [smem:$0x3FDB];
	s0 =	simm.s32 @p2 $0x1  }
0x17: {  	s4 =	simm.s32 $0x1BF5;
	[smem:$0x3FBA] =	sst s0  }
0x18: {  	s0 =	sld [smem:$0x3F9D];
	_ =	swait.ge [sflag:s4], $0x0  }
0x19: {  	s7 =	sld [smem:$0x3F9E]  }
0x1a: {  	s8 =	sadd.s32 $0xFFFFE003, lr  }
0x1b: {  	s9 =	sadd.s32 $0xFFFFFEF7, lr;
	s5 =	simm.s32 $0xFFFFFFFF;
	p2 =	slt.u32 s8, $0xFFFFF086  }
0x1c: {  	p1 =	slt.u32 s9, $0xF7A;
	s5 =	simm.s32 @!p2 $0x0  }
0x1d: {  	s5 =	simm.s32 @p1 $0x1;
	p0 =	seq.s32 s7, s2  }
0x1e: {  	s7 =	smul.u32 @!p0 $0xF7A, s2;
	p2 =	seq.s32 @!p0 s5, $0x0  }
0x1f: {  	s9 =	smul.u32 $0xF7A, s1;
	s8 =	simm.s32 @!p0 $0x1BF5;
	p2 =	por !p2, p0  }
0x20: {  	[sflag:s8] =	ssyncset.s32 @!p0 $0xFFFFF086;
	s6 =	sadd.s32 @!p0 s3, s7;
	s7 =	simm.s32 @!p0 $0x108  }
0x21: {  	s3 =	sadd.s32 s3, s9;
	s6 =	sadd.s32 @!p0 $0x88, s6;
	s7 =	simm.s32 @p2 $0x1082  }
0x22: {  	[simem:s7], [sflag:s8] =	dma.local @!p0 [hbm:s6], $0xF7A  }
0x23: {  	s9 =	sor.u32 $0xD0000000, s2;
	s6 =	simm.s32 $0x108;
	_ =	swait.ge @!p0 [sflag:s8], $0x0  }
0x24: {  	s3 =	sadd.s32 $0x88, s3;
	s6 =	simm.s32 @!p1 $0x1082;
	[sflag:s4] =	ssyncset.s32 $0xFFFFF086  }
0x25: {  	[simem:s6], [sflag:s4] =	dma.local [hbm:s3], $0xF7A  }
0x26: {  	[smem:$0x3F9E] =	sst s1;
	(tag) =	ssettag s2;
	_ =	strace s9  }
0x27: {  	s1 =	sld [smem:$0x3FAE]  }
0x28: {  	s2 =	sld [smem:$0x3FAF]  }
0x29: {  	s4 =	sld [smem:$0x3FB1]  }
0x2a: {  	p0 =	seq.s32 s5, $0x0;
	s5 =	sld [smem:$0x3FB2]  }
0x2b: {  	s6 =	sld [smem:$0x3FB3]  }
0x2c: {  	s7 =	sld [smem:$0x3FB4]  }
0x2d: {  	s3 =	simm.s32 $0x108;
	s8 =	sld [smem:$0x3FB5]  }
0x2e: {  	s3 =	simm.s32 @!p0 $0x1082;
	s9 =	sld [smem:$0x3FB6]  }
0x2f: {  	lr =	sadd.s32 s0, s3;
	s0 =	sld [smem:$0x3FAD]  }
0x30: {  	s3 =	sld [smem:$0x3FB0]  }
0x31: {  	[smem:$0x3FB9] =	sst s10  }
0x32: {  	s10 =	sld [smem:$0x3FB7];
	_ =	sdelay $0x3  }
0x33: {  	p0 =	seq.s32 s10, $0x1;
	s10 =	sld [smem:$0x3FB9];
	_ =	sdelay $0x3  }
0x34: {  	[smem:$0x3FB9] =	sst s10  }
0x35: {  	s10 =	sld [smem:$0x3FB8];
	_ =	sdelay $0x3  }
0x36: {  	p1 =	seq.s32 s10, $0x1;
	s10 =	sld [smem:$0x3FB9];
	_ =	sdelay $0x3  }
0x37: {  	[smem:$0x3FB9] =	sst s10  }
0x38: {  	s10 =	sld [smem:$0x3FBA]  }
0x39: {  	_ = 	snop;
	(pc) =	sbr.ind lr, $3  }
0x3a: {  	_ = 	snop  }
0x3b: {  	_ = 	snop  }
0x3c: {  	p2 =	seq.s32 s10, $0x1;
	s10 =	sld [smem:$0x3FB9]  }
0x3d: {  	_ =	shalt  }
0x3e: {  	_ =	shalt  }
0x3f: {  	_ =	shalt  }
0x40: {  	_ =	shalt  }
0x41: {  	_ =	shalt  }
0x42: {  	_ =	shalt  }
0x43: {  	_ =	shalt  }
0x44: {  	_ =	shalt  }
0x45: {  	_ =	shalt  }
0x46: {  	_ =	shalt  }
0x47: {  	_ =	shalt  }
0x48: {  	_ =	shalt  }
0x49: {  	_ =	shalt  }
0x4a: {  	_ =	shalt  }
0x4b: {  	_ =	shalt  }
0x4c: {  	_ =	shalt  }
0x4d: {  	_ =	shalt  }
0x4e: {  	_ =	shalt  }
0x4f: {  	_ =	shalt  }
0x50: {  	_ =	shalt  }
0x51: {  	_ =	shalt  }
0x52: {  	_ =	shalt  }
0x53: {  	_ =	shalt  }
0x54: {  	_ =	shalt  }
0x55: {  	_ =	shalt  }
0x56: {  	_ =	shalt  }
0x57: {  	_ =	shalt  }
0x58: {  	_ =	shalt  }
0x59: {  	_ =	shalt  }
0x5a: {  	_ =	shalt  }
0x5b: {  	_ =	shalt  }
0x5c: {  	_ =	shalt  }
0x5d: {  	_ =	shalt  }
0x5e: {  	_ =	shalt  }
0x5f: {  	_ =	shalt  }
0x60: {  	_ =	shalt  }
0x61: {  	_ =	shalt  }
0x62: {  	_ =	shalt  }
0x63: {  	_ =	shalt  }
0x64: {  	_ =	shalt  }
0x65: {  	_ =	shalt  }
0x66: {  	_ =	shalt  }
0x67: {  	_ =	shalt  }
0x68: {  	_ =	shalt  }
0x69: {  	_ =	shalt  }
0x6a: {  	_ =	shalt  }
0x6b: {  	_ =	shalt  }
0x6c: {  	_ =	shalt  }
0x6d: {  	_ =	shalt  }
0x6e: {  	_ =	shalt  }
0x6f: {  	_ =	shalt  }
0x70: {  	_ =	shalt  }
0x71: {  	_ =	shalt  }
0x72: {  	_ =	shalt  }
0x73: {  	_ =	shalt  }
0x74: {  	_ =	shalt  }
0x75: {  	_ =	shalt  }
0x76: {  	_ =	shalt  }
0x77: {  	_ =	shalt  }
0x78: {  	_ =	shalt  }
0x79: {  	_ =	shalt  }
0x7a: {  	_ =	shalt  }
0x7b: {  	_ =	shalt  }
0x7c: {  	_ =	shalt  }
0x7d: {  	_ =	shalt  }
0x7e: {  	_ =	shalt  }
0x7f: {  	_ =	shalt  }
0x80: {  	_ =	shalt  }
0x81: {  	_ =	shalt  }
0x82: {  	_ =	shalt  }
0x83: {  	_ =	shalt  }
0x84: {  	_ =	shalt  }
0x85: {  	_ =	shalt  }
0x86: {  	_ =	shalt  }
0x87: {  	_ =	shalt  }
.Lfunc_end0:
.L_simem_size_0:
called_computation_lowered:
.L_overlay_start_0:
0x88: {  	s2 =	sld [smem:$0x3FD9]  }
0x89: {  	s3 =	sld [smem:$0x3FFE];
	_ =	sdelay $0x1  }
0x8a: {  	s1 =	srdreg.scid  }
0x8b: {  	s0 =	sand.u32 $0x1, s1  }
0x8c: {  	s17 =	sshll.u32 s0, $0xA;
	s2 =	sadd.s32 s3, s2  }
0x8d: {  	s2 =	sadd.s32 s2, s17  }
0x8e: {  	[smem:$0x3FC5] =	sst s2  }
0x8f: {  	_ = 	snop  }
0x90: {  	s2 =	sld [smem:$0x3FC7];
	(tm) =	ssettm $0x1  }
0x91: {  	s18 =	sld [smem:$0x3FFB];
	_ =	sdelay $0x3  }
0x92: {  	_ =	strace s18  }
0x93: {  	s3 =	sld [smem:$0x3FFC];
	_ =	sdelay $0x3  }
0x94: {  	_ =	strace s3  }
0x95: {  	s3 =	sld [smem:$0x3FFD];
	_ =	sdelay $0x3  }
0x96: {  	_ =	strace s3  }
0x97: {  	_ =	strace $0x8FFFFFFF  }
0x98: {  	s19 =	sld [smem:$0x3FDB];
	_ =	sdelay $0x1  }
0x99: {  	s4 =	simm.s32 $_scs_section_size  }
0x9a: {  	s5 =	simm.s32 $_size__tile_overlayer_lowered;
	s6 =	simm.s32 $_tile_overlayer_lowered  }
0x9b: {  	s22 =	simm.s32 $0x1BFF;
	s21 =	sshll.u32 s6, $0x1;
	s3 =	sadd.s32 s4, s19  }
0x9c: {  	s7 =	simm.s32 $0x0;
	s20 =	sshll.u32 s5, $0x1;
	s5 =	sadd.s32 s21, s3  }
0x9d: {  	[timem:s7], [sflag:s22] =	dma.local [hbm:s5], s20  }
0x9e: {  	_ =	swait.ge [sflag:s22], s20  }
0x9f: {  	s4 =	ssub.s32 $0x0, s20;
	[sflag:s22] =	ssyncset.done $0x0  }
0xa0: {  	[sflag:s22] =	ssyncadd.s32 s4;
	_ =	sdelay $0x1  }
0xa1: {  	s23 =	simm.s32 $0x1B8B  }
0xa2: {  	_ =	swait.ge [sflag:s23], $0x1  }
0xa3: {  	[sflag:s23] =	ssyncset.done $0x0  }
0xa4: {  	s25 =	simm.s32 $0x1B8E;
	s24 =	sld [smem:$0x3FFE];
	[sflag:s23] =	ssyncadd.s32 $0xFFFFFFFF  }
0xa5: {  	s26 =	simm.s32 $execute0_lowered;
	[smem:$0x3FD2] =	sst s25  }
0xa6: {  	s5 =	sshll.u32 s26, $0x1;
	_ =	strace $0x80000046;
	[dreg:$0x1] =	wrdreg $0xFFFFFFFF  }
0xa7: {  	s28 =	simm.s32 $_size_execute0_lowered;
	s3 =	sadd.s32 s3, s5;
	[dreg:$0x0] =	wrdreg $0x0  }
0xa8: {  	s5 =	sshll.u32 s28, $0x1;
	[dreg:$0x2] =	wrdreg s3  }
0xa9: {  	[dreg:$0x3] =	wrdreg s5  }
0xaa: {  	[dreg:$0x4] =	wrdreg $0xC0  }
0xab: {  	_ =	task [dreg:s7], $0x5FFFF  }
0xac: {  	[dreg:$0x1] =	wrdreg $0xFFFFFFFF  }
0xad: {  	[dreg:$0x0] =	wrdreg $0x60  }
0xae: {  	[dreg:$0x2] =	wrdreg s24  }
0xaf: {  	[dreg:$0x3] =	wrdreg s2  }
0xb0: {  	[dreg:$0x4] =	wrdreg $0x9  }
0xb1: {  	_ =	task.clear_ibuf [dreg:s7], $0x5FFFF;
	_ =	strace $0x90000046  }
0xb2: {  	s29 =	simm.s32 $0x9;
	_ =	strace $0x80000048  }
0xb3: {  	_ =	swait.ge [sflag:s29], $0x1  }
0xb4: {  	[sflag:s29] =	ssyncadd.s32 $0xFFFFFFFF  }
0xb5: {  	_ =	strace $0x90000048  }
0xb6: {  	_ =	sfence  }
0xb7: {  	s30 =	sld [smem:$0x0];
	_ =	sdelay $0x2  }
0xb8: {  	s31 =	sshll.u32 s1, $0xD;
	s1 =	sshrl.u32 s1, $0x2  }
0xb9: {  	s3 =	sand.u32 $0x4000, s31;
	s1 =	sadd.s32 s1, s30  }
0xba: {  	s0 =	sor.u32 s3, s0;
	s1 =	sshll.u32 s1, $0x11  }
0xbb: {  	s0 =	sor.u32 s1, s0  }
0xbc: {  	s0 =	sadd.s32 $0x8F2B, s0  }
0xbd: {  	[sflag:s0] =	ssyncadd.remote.s32 $0x1  }
0xbe: {  	_ =	sfence.sel $0xFFFF  }
0xbf: {  	[dreg:$0x0] =	wrdreg $0xFFFFFFFF;
	(pc) =	sbr.abs _section_cstart, $3  }
0xc0: {  	[dreg:$0x1] =	wrdreg $0xFFFFFFFF  }
0xc1: {  	_ =	task.clear_ibuf [dreg:s7], $0x2FFFF;
	_ =	strace $0x9FFFFFFF  }
0xc2: {  	(tm) =	ssettm $0x7FFFFFFF  }
0xc3: {  	_ =	shalt  }
tec
execute0_lowered:
.L_overlay_start_1:
0x0: {  	(tag) =	ssettag $0x1  }
0x1: {  	s4 =	rddreg [dreg:$0x0];
	s1 =	srdreg.scid;
	v0 =	vimm.s32 $0xE40000  }
0x2: {  	s2 =	rddreg [dreg:$0x1];
	s0 =	stileid.u32;
	v0 =	vunpack.c.l.s2.s4 v0  }
0x3: {  	s3 =	simm.s32 $0x0;
	s9 =	simm.s32 $0x4000;
	s10 =	simm.s32 $0x8000  }
0x4: {  	v1 =	vimm.s32 $0x1234567;
	s11 =	simm.s32 $0x3;
	s12 =	simm.s32 $0x1;
	s13 =	simm.s32 $0x2;
	v2 =	vunpack.c.l.s4.s8 v0  }
0x5: {  	v4 =	vimm.s32 $0x7060504;
	s14 =	simm.s32 $0x8080;
	s15 =	simm.s32 $0x10080;
	s5 =	sand.u32 $0x1, s1;
	v3 =	vunpack.c.l.s4.s8 v1  }
0x6: {  	vm0 =	vcmask $0x3F30;
	s16 =	simm.s32 $0x0;
	s6 =	sshll.u32 s0, $0xD;
	s7 =	sshll.u32 s5, $0xC;
	v0 =	vlaneseq.u32;
	v5 =	vunpack.c.0.s8.s32 v2  }
0x7: {  	[smem:$0x7FF] =	sst s3;
	s5 =	ssub.s32 $0x2, s5;
	s6 =	sor.u32 s7, s6;
	v6 =	vunpack.c.0.s8.s32 v3;
	v3 =	vunpack.c.0.s8.s32 v4;
	v1 =	vor.u32 $0x10, v0  }
0x8: {  	_ =	strace $0x80000047;
	s31 =	sshrl.u32 s5, $0x1;
	s7 =	sadd.s32 s6, s4;
	v7 =	vmul.u32 $0xFFFFFFFF, v0;
	v2 =	vor.u32 $0x20, v0;
	v4 =	vand.u32 $0x3, v5  }
0x9: {  	s8 =	ssub.s32 s5, s31;
	s4 =	sadd.s32 $0xE00, s7;
	s5 =	sadd.s32 $0x1600, s7;
	v3 =	vsel vm0, v3, v4;
	v4 =	vor.u32 $0x30, v0;
	vm0 =	vcmask $0x1F00  }
0xa: {  	s6 =	sadd.s32 $0x20E00, s7;
	s7 =	sadd.s32 $0x40E00, s7;
	s8 =	smax.u32 s8, $0x1;
	v5 =	vnsel vm0, $0x0, v6;
	v6 =	vadd.s32 $0xF, v7;
	vm0 =	vmmov $0xff  }
.LBB2_1:
0xb: {  	[tilespmem:s3], [sflag:$0x1] =	stream.linear.gather [hbm4b:s4+s3], $0x4000, $0x38;
	[tilespmem:$0x18080] =	vst v63  }
0xc: {  	_ = 	snop  }
0xd: {  	[tilespmem:s9], [sflag:$0x2] =	stream.linear.gather [hbm4b:s5+s3], $0x4000, $0x38;
	[tilespmem:$0x18080] =	vst v63  }
0xe: {  	_ = 	snop  }
0xf: {  	[tilespmem:s10], [sflag:$0x3] =	stream.linear.gather [hbm4b:s2+s3], $0x80, $0x38;
	[tilespmem:$0x18080] =	vst v63  }
0x10: {  	_ =	swait.ge [sflag:s11], $0x80  }
0x11: {  	[sflag:s11] =	ssyncset.done $0x0  }
0x12: {  	[sflag:s11] =	ssyncadd.s32 $0xFFFFFF80  }
0x13: {  	v7 =	vld [tilespmem:$0x8000]  }
0x14: {  	v8 =	vld [tilespmem:$0x8010]  }
0x15: {  	v9 =	vld [tilespmem:$0x8020]  }
0x16: {  	v10 =	vld [tilespmem:$0x8030];
	_ =	swait.ge [sflag:s12], $0x4000  }
0x17: {  	[sflag:s12] =	ssyncset.done $0x0  }
0x18: {  	s17 =	simm.s32 $0x80;
	[sflag:s12] =	ssyncadd.s32 $0xFFFFC000  }
0x19: {  	v11 =	vld [tilespmem:s17+$0xFFFFFF80]  }
0x1a: {  	v12 =	vld [tilespmem:s17+$0x30]  }
0x1b: {  	v13 =	vld [tilespmem:s17+$0x20]  }
0x1c: {  	v14 =	vld [tilespmem:s17+$0x10]  }
0x1d: {  	v15 =	vld [tilespmem:s17+$0xFFFFFFB0]  }
0x1e: {  	v16 =	vld [tilespmem:s17+$0xFFFFFFA0];
	v11 =	vadd.f32 v11, v7  }
0x1f: {  	v17 =	vld [tilespmem:s17+$0xFFFFFF90];
	v12 =	vadd.f32 v12, v10  }
0x20: {  	(xrf1) =	vsort.dscd.msk.f32 $0xffff, v11, v0;
	v11 =	vadd.f32 v13, v9  }
0x21: {  	v13 =	vadd.f32 v14, v8;
	(xrf1) =	vsort.dscd.msk.f32 $0xffff, v12, v4  }
0x22: {  	v14 =	vadd.f32 v15, v10;
	(xrf1) =	vsort.dscd.msk.f32 $0xffff, v11, v2  }
0x23: {  	v12 =	vld [tilespmem:s17+$0x0];
	v11 =	vadd.f32 v16, v9;
	(xrf1) =	vsort.dscd.msk.f32 $0xffff, v13, v1  }
0x24: {  	v13 =	vadd.f32 v17, v8;
	(xrf1) =	vsort.dscd.msk.f32 $0xffff, v14, v4  }
0x25: {  	(xrf1) =	vsort.dscd.msk.f32 $0xffff, v11, v2  }
0x26: {  	s29 =	simm.s32 $0x180;
	(xrf1) =	vsort.dscd.msk.f32 $0xffff, v13, v1  }
0x27: {  	v18 =	vld [tilespmem:s29+$0xFFFFFFA0]  }
0x28: {  	v11 =	vadd.f32 v12, v7;
	v12 =	vld [tilespmem:s29+$0xFFFFFF80]  }
0x29: {  	v13 =	vld [tilespmem:s29+$0x20]  }
0x2a: {  	(xrf1) =	vsort.dscd.msk.f32 $0xffff, v11, v0;
	v11 =	vld [tilespmem:s29+$0x30]  }
0x2b: {  	v21 =	vld [tilespmem:s29+$0xFFFFFF90]  }
0x2c: {  	v14 =	vld [tilespmem:s29+$0x10]  }
0x2d: {  	v15 =	vld [tilespmem:s29+$0xFFFFFFB0]  }
0x2e: {  	v25 =	vld [tilespmem:s29+$0x0];
	v12 =	vadd.f32 v12, v7;
	v16, v17, _ =	vpop (xrf1)  }
0x2f: {  	v13 =	vadd.f32 v13, v9;
	v11 =	vadd.f32 v11, v10;
	v19, v20, _ =	vpop (xrf1)  }
0x30: {  	v18 =	vadd.f32 v18, v9;
	(xrf1) =	vsort.dscd.msk.f32 $0xffff, v12, v0;
	v12 =	vperm.xlane v19, v6;
	v19, v22, _ =	vpop (xrf1)  }
0x31: {  	v21 =	vadd.f32 v21, v8;
	v14 =	vadd.f32 v14, v8;
	(xrf1) =	vsort.dscd.msk.f32 $0xffff, v11, v4;
	v23, v24, _ =	vpop (xrf1)  }
0x32: {  	v15 =	vadd.f32 v15, v10;
	v11 =	vperm.xlane v20, v6;
	(xrf1) =	vsort.dscd.msk.f32 $0xffff, v13, v2;
	v20, v26, _ =	vpop (xrf1)  }
0x33: {  	s30 =	simm.s32 $0x280;
	v25 =	vadd.f32 v25, v7;
	v19 =	vperm.xlane v19, v3;
	(xrf1) =	vsort.dscd.msk.f32 $0xffff, v14, v1;
	v13, v27, _ =	vpop (xrf1)  }
0x34: {  	v14 =	vperm.xlane v23, v5;
	(xrf1) =	vsort.dscd.msk.f32 $0xffff, v15, v4;
	v15 =	vperm.xlane v20, v6;
	v20 =	vld [tilespmem:s30+$0xFFFFFF80];
	v23, v28, _ =	vpop (xrf1)  }
0x35: {  	v26 =	vperm.xlane v26, v6;
	vm1 =	vge.f32 v19, v12;
	v23 =	vperm.xlane v23, v5  }
0x36: {  	(xrf1) =	vsort.dscd.msk.f32 $0xffff, v18, v2;
	v27 =	vperm.xlane v27, v3;
	v18 =	vperm.xlane v28, v5  }
0x37: {  	v13 =	vperm.xlane v13, v3;
	v12 =	vsel vm1, v19, v12;
	vm3 =	vge.f32 v16, v23  }
0x38: {  	(xrf1) =	vsort.dscd.msk.f32 $0xffff, v21, v1;
	v21 =	vperm.xlane v24, v5;
	v17 =	vsel vm3, v17, v18;
	v18 =	vld [tilespmem:s30+$0x30]  }
0x39: {  	v24, v28, _ =	vpop (xrf1);
	(xrf1) =	vsort.dscd.msk.f32 $0xffff, v25, v0;
	v19 =	vadd.f32 v20, v7;
	v20 =	vperm.xlane v22, v3;
	v22 =	vld [tilespmem:s30+$0x20]  }
0x3a: {  	vm2 =	vge.f32 v24, v14;
	v16 =	vsel vm3, v16, v23;
	vm3 =	vge.f32 v13, v15;
	v23 =	vld [tilespmem:s30+$0x10]  }
0x3b: {  	s19 =	simm.s32 $0x380;
	v14 =	vsel vm2, v24, v14;
	v24 =	vld [tilespmem:s30+$0x0];
	v13 =	vsel vm3, v13, v15;
	v15 =	vsel vm3, v27, v26  }
0x3c: {  	v21 =	vsel vm2, v28, v21;
	v28 =	vld [tilespmem:s19+$0xFFFFFF80];
	v12 =	vsel vm0, v14, v12;
	v15 =	vsel vm0, v17, v15  }
0x3d: {  	(xrf1) =	vsort.dscd.msk.f32 $0xffff, v19, v0;
	v11 =	vsel vm1, v20, v11;
	v19 =	vld [tilespmem:s30+$0xFFFFFFB0];
	v13 =	vsel vm0, v16, v13  }
0x3e: {  	v14 =	vld [tilespmem:s30+$0xFFFFFFA0];
	v11 =	vsel vm0, v21, v11  }
0x3f: {  	v16 =	vld [tilespmem:s30+$0xFFFFFF90];
	v17 =	vadd.f32 v18, v10  }
0x40: {  	(xrf1) =	vsort.dscd.msk.f32 $0xffff, v13, v15;
	v13, v15, _ =	vpop (xrf1)  }
0x41: {  	(xrf1) =	vsort.dscd.msk.f32 $0xffff, v12, v11;
	v18 =	vadd.f32 v22, v9;
	v22 =	vadd.f32 v23, v8;
	v11, v12, _ =	vpop (xrf1)  }
0x42: {  	v24 =	vadd.f32 v24, v7;
	(xrf1) =	vsort.dscd.msk.f32 $0xffff, v17, v4;
	v19 =	vadd.f32 v19, v10;
	v20, v21, _ =	vpop (xrf1)  }
0x43: {  	v28 =	vadd.f32 v28, v7;
	v14 =	vadd.f32 v14, v9;
	(xrf1) =	vsort.dscd.msk.f32 $0xffff, v18, v2;
	v17, v23, _ =	vpop (xrf1)  }
0x44: {  	v16 =	vadd.f32 v16, v8;
	v11 =	vperm.xlane v11, v6;
	v18 =	vperm.xlane v20, v3;
	v20, v25, _ =	vpop (xrf1)  }
0x45: {  	v12 =	vperm.xlane v12, v6;
	(xrf1) =	vsort.dscd.msk.f32 $0xffff, v22, v1;
	v21 =	vperm.xlane v21, v3;
	v22, v26, _ =	vpop (xrf1)  }
0x46: {  	v17 =	vperm.xlane v17, v5;
	v23 =	vperm.xlane v23, v5;
	(xrf1) =	vsort.dscd.msk.f32 $0xffff, v19, v4;
	v19, v27, _ =	vpop (xrf1)  }
0x47: {  	v20 =	vperm.xlane v20, v6;
	(xrf1) =	vsort.dscd.msk.f32 $0xffff, v14, v2;
	v19 =	vperm.xlane v19, v5  }
0x48: {  	v25 =	vperm.xlane v25, v6;
	v27 =	vperm.xlane v27, v5;
	(xrf1) =	vsort.dscd.msk.f32 $0xffff, v16, v1  }
0x49: {  	vm1 =	vge.f32 v18, v11;
	v22 =	vperm.xlane v22, v3;
	vm3 =	vge.f32 v13, v19  }
0x4a: {  	v26 =	vperm.xlane v26, v3;
	(xrf1) =	vsort.dscd.msk.f32 $0xffff, v24, v0;
	v15 =	vsel vm3, v15, v27;
	v27 =	vld [tilespmem:s19+$0x30]  }
0x4b: {  	v18 =	vsel vm1, v18, v11;
	v14, v16, _ =	vpop (xrf1);
	v19 =	vsel vm3, v13, v19;
	vm3 =	vge.f32 v22, v20  }
0x4c: {  	vm2 =	vge.f32 v14, v17;
	v20 =	vsel vm3, v22, v20;
	v22 =	vsel vm3, v26, v25  }
0x4d: {  	v29 =	vld [tilespmem:s19+$0xFFFFFFB0];
	v21 =	vsel vm1, v21, v12;
	v17 =	vsel vm2, v14, v17;
	v16 =	vsel vm2, v16, v23;
	v14, v13, _ =	vpop (xrf1)  }
0x4e: {  	v23 =	vld [tilespmem:s19+$0x20];
	(xrf1) =	vsort.dscd.msk.f32 $0xffff, v28, v0;
	v17 =	vsel vm0, v17, v18;
	v21 =	vsel vm0, v16, v21;
	_, v11, _ =	vpop (xrf1)  }
0x4f: {  	v18 =	vld [tilespmem:s19+$0x10];
	_, v12, _ =	vpop (xrf1);
	v19 =	vsel vm0, v19, v20;
	v15 =	vsel vm0, v15, v22;
	v25 =	vadd.f32 v27, v10  }
0x50: {  	s31 =	simm.s32 $0x0;
	v24 =	vand.u32 $0xFFFFFF80, v11;
	v26 =	vand.u32 $0xFFFFFF80, v12;
	v20, v22, _ =	vpop (xrf1);
	(xrf1) =	vsort.dscd.msk.f32 $0xffff, v19, v15  }
0x51: {  	s20 =	simm.s32 $0x80;
	v32 =	vld [tilespmem:s19+$0xFFFFFFA0];
	v15 =	vand.u32 $0x7F, v11;
	v19 =	vperm.xlane v20, v6;
	v20, v16, _ =	vpop (xrf1);
	(xrf1) =	vsort.dscd.msk.f32 $0xffff, v17, v21;
	v17 =	vadd.s32 s31, v24  }
0x52: {  	v15 =	vor.u32 v15, v17;
	v17 =	vadd.s32 s20, v26;
	v26 =	vld [tilespmem:s19+$0xFFFFFF90]  }
0x53: {  	v30 =	vadd.f32 v29, v10;
	v23 =	vadd.f32 v23, v9;
	v33, v21, _ =	vpop (xrf1)  }
0x54: {  	s18 =	simm.s32 $0x8100;
	s23 =	simm.s32 $0x2;
	s22 =	simm.s32 $0x4;
	v31 =	vand.u32 $0x7F, v12;
	v34 =	vadd.f32 v18, v8;
	v27 =	vld [tilespmem:s19+$0x0];
	v18 =	vperm.xlane v22, v6;
	(xrf1) =	vsort.dscd.msk.f32 $0xffff, v25, v4;
	v28, v25, _ =	vpop (xrf1)  }
0x55: {  	s24 =	simm.s32 $0x8;
	s25 =	simm.s32 $0x480;
	s21 =	simm.s32 $0x8100;
	v20 =	vperm.xlane v20, v3;
	(xrf1) =	vsort.dscd.msk.f32 $0xffff, v23, v2;
	v17 =	vor.u32 v31, v17;
	v22, v24, _ =	vpop (xrf1)  }
0x56: {  	s17 =	simm.s32 $0x10100;
	s20 =	simm.s32 $0x6;
	s19 =	simm.s32 $0x10100;
	v31 =	vadd.f32 v32, v9;
	v23 =	vperm.xlane v33, v5;
	(xrf1) =	vsort.dscd.msk.f32 $0xffff, v34, v1;
	v29, v32, _ =	vpop (xrf1)  }
.LBB2_2:
0x57: {  	p0 =	slt.u32 s24, $0x7E;
	v26 =	vadd.f32 v26, v8;
	(xrf1) =	vsort.dscd.msk.f32 $0xffff, v30, v4;
	v28 =	vperm.xlane v28, v6;
	s17 =	sadd.s32 $0x100, s17;
	s18 =	sadd.s32 $0x100, s18  }
0x58: {  	v25 =	vperm.xlane v25, v6;
	s26 =	smov.u32 s24;
	s24 =	sadd.s32 $0x2, s24;
	v30 =	vld [tilespmem:s25+$0xFFFFFF80];
	(xrf1) =	vsort.dscd.msk.f32 $0xffff, v31, v2;
	v31 =	vperm.xlane v32, v5;
	v32, v33, _ =	vpop (xrf1)  }
0x59: {  	v21 =	vperm.xlane v21, v5;
	v27 =	vadd.f32 v27, v7;
	(xrf1) =	vsort.dscd.msk.f32 $0xffff, v26, v1;
	v15 =	vld.idx.msk [tilespmem:v15+s3+$0x0], $0xffff  }
0x5a: {  	v24 =	vperm.xlane v24, v3;
	vm1 =	vge.f32 v20, v19;
	v26 =	vperm.xlane v29, v5;
	v17 =	vld.idx.msk [tilespmem:v17+s3+$0x0], $0xffff  }
0x5b: {  	v22 =	vperm.xlane v22, v3;
	vm2 =	vge.f32 v32, v23;
	(xrf1) =	vsort.dscd.msk.f32 $0xffff, v27, v0  }
0x5c: {  	v23 =	vsel vm2, v32, v23;
	v32 =	vsel vm1, v20, v19;
	vm3 =	vge.f32 v14, v26  }
0x5d: {  	v26 =	vsel vm3, v14, v26;
	v27 =	vsel vm3, v13, v31;
	v20 =	vadd.f32 v30, v7;
	v14, v13, _ =	vpop (xrf1)  }
0x5e: {  	v16 =	vperm.xlane v16, v3;
	v21 =	vsel vm2, v33, v21;
	vm3 =	vge.f32 v22, v28;
	v29 =	vld [tilespmem:s25+$0x30]  }
0x5f: {  	v23 =	vsel vm0, v23, v32;
	v28 =	vsel vm3, v22, v28;
	v24 =	vsel vm3, v24, v25;
	v30 =	vld [tilespmem:s25+$0x20];
	_, v19, _ =	vpop (xrf1);
	[tilespmem:s21+$0xFFFFFF80] =	vst v15  }
0x60: {  	v15 =	vsel vm1, v16, v18;
	v25 =	vld [tilespmem:s25+$0x10];
	(xrf1) =	vsort.dscd.msk.f32 $0xffff, v20, v0;
	v18 =	vand.u32 $0xFFFFFF80, v19;
	_, v31, _ =	vpop (xrf1);
	[tilespmem:s19+$0xFFFFFF80] =	vst v11  }
0x61: {  	v36 =	vsel vm0, v26, v28;
	v20 =	vsel vm0, v27, v24;
	v11 =	vmovc v19;
	v32 =	vld [tilespmem:s25+$0xFFFFFFB0];
	v33 =	vand.u32 $0x7F, v31;
	[tilespmem:s21+$0x0] =	vst v17;
	s21 =	smov.u32 s18  }
0x62: {  	s28 =	sshll.u32 s23, $0x7;
	s23 =	smov.u32 s22;
	s22 =	smov.u32 s20;
	v15 =	vsel vm0, v21, v15;
	v24 =	vand.u32 $0x7F, v11;
	v35 =	vand.u32 $0xFFFFFF80, v31;
	v34 =	vld [tilespmem:s25+$0xFFFFFFA0];
	v17, v22, _ =	vpop (xrf1);
	(xrf1) =	vsort.dscd.msk.f32 $0xffff, v36, v20  }
.Ltmp0:
0x63: {  	s20 =	smov.u32 s26;
	v26 =	vld [tilespmem:s25+$0xFFFFFF90];
	v37 =	vadd.f32 v29, v10;
	v19 =	vperm.xlane v17, v6;
	v17, v16, _ =	vpop (xrf1);
	(xrf1) =	vsort.dscd.msk.f32 $0xffff, v23, v15;
	v15 =	vadd.s32 s28, v18;
	(pc) =	sbr.rel @p0 .LBB2_2-.Ltmp0, $4  }
0x64: {  	s26 =	sadd.s32 $0x80, s28;
	v23 =	vadd.f32 v30, v9;
	v20 =	vperm.xlane v17, v3;
	v29, v21, _ =	vpop (xrf1);
	v15 =	vor.u32 v24, v15;
	[tilespmem:s19+$0x0] =	vst v12;
	s19 =	smov.u32 s17  }
0x65: {  	v35 =	vadd.s32 s26, v35;
	v18 =	vperm.xlane v22, v6;
	v27 =	vld [tilespmem:s25+$0x0];
	v36 =	vadd.f32 v25, v8;
	(xrf1) =	vsort.dscd.msk.f32 $0xffff, v37, v4;
	v28, v25, _ =	vpop (xrf1)  }
0x66: {  	v17 =	vor.u32 v33, v35;
	v12 =	vmov v31;
	v30 =	vadd.f32 v32, v10;
	(xrf1) =	vsort.dscd.msk.f32 $0xffff, v23, v2;
	v22, v24, _ =	vpop (xrf1)  }
0x67: {  	s25 =	sadd.s32 $0x100, s25;
	v23 =	vperm.xlane v29, v5;
	v31 =	vadd.f32 v34, v9;
	(xrf1) =	vsort.dscd.msk.f32 $0xffff, v36, v1;
	v29, v32, _ =	vpop (xrf1)  }
0x68: {  	_ = 	snop  }
0x69: {  	v26 =	vadd.f32 v26, v8;
	(xrf1) =	vsort.dscd.msk.f32 $0xffff, v30, v4  }
0x6a: {  	(xrf1) =	vsort.dscd.msk.f32 $0xffff, v31, v2;
	v27 =	vadd.f32 v27, v7  }
0x6b: {  	(xrf1) =	vsort.dscd.msk.f32 $0xffff, v26, v1  }
0x6c: {  	(xrf1) =	vsort.dscd.msk.f32 $0xffff, v27, v0;
	_ =	sdelay $0x1  }
0x6d: {  	v30 =	vperm.xlane v32, v5;
	v29 =	vperm.xlane v29, v5  }
0x6e: {  	v25 =	vperm.xlane v25, v6;
	v21 =	vperm.xlane v21, v5  }
0x6f: {  	v22 =	vperm.xlane v22, v3;
	v26 =	vperm.xlane v28, v6;
	vm3 =	vge.f32 v14, v29;
	v27, v28, _ =	vpop (xrf1)  }
0x70: {  	v24 =	vperm.xlane v24, v3;
	v16 =	vperm.xlane v16, v3;
	v14 =	vsel vm3, v14, v29;
	v31, v52, _ =	vpop (xrf1)  }
0x71: {  	v13 =	vsel vm3, v13, v30;
	vm3 =	vge.f32 v22, v26;
	vm2 =	vge.f32 v27, v23;
	_, v33, _ =	vpop (xrf1)  }
0x72: {  	vm1 =	vge.f32 v20, v19;
	v22 =	vsel vm3, v22, v26;
	v23 =	vsel vm2, v27, v23;
	_, v27, _ =	vpop (xrf1)  }
0x73: {  	v19 =	vsel vm1, v20, v19;
	v16 =	vsel vm1, v16, v18;
	v20, v29, _ =	vpop (xrf1)  }
0x74: {  	v24 =	vsel vm3, v24, v25;
	v14 =	vsel vm0, v14, v22;
	v21 =	vsel vm2, v28, v21;
	v28, v30, _ =	vpop (xrf1)  }
0x75: {  	v13 =	vsel vm0, v13, v24;
	v19 =	vsel vm0, v23, v19;
	v18 =	vperm.xlane v20, v6;
	v23, v25, _ =	vpop (xrf1)  }
0x76: {  	v16 =	vsel vm0, v21, v16;
	v26 =	vperm.xlane v29, v6;
	v24 =	vperm.xlane v28, v3;
	v20, v22, _ =	vpop (xrf1)  }
0x77: {  	v21 =	vperm.xlane v23, v5;
	v28, v29, _ =	vpop (xrf1);
	v20 =	vperm.xlane v20, v6  }
0x78: {  	(xrf1) =	vsort.dscd.msk.f32 $0xffff, v14, v13;
	v14 =	vperm.xlane v22, v6;
	v22 =	vperm.xlane v25, v5;
	v23, v34, _ =	vpop (xrf1)  }
0x79: {  	vm2 =	vge.f32 v24, v18;
	(xrf1) =	vsort.dscd.msk.f32 $0xffff, v19, v16;
	v23 =	vperm.xlane v23, v5;
	v16, v19, _ =	vpop (xrf1)  }
0x7a: {  	v28 =	vperm.xlane v28, v3;
	v13 =	vperm.xlane v34, v5;
	vm1 =	vge.f32 v16, v21  }
0x7b: {  	v25 =	vperm.xlane v29, v3;
	vm3 =	vge.f32 v31, v23;
	v16 =	vsel vm1, v16, v21  }
0x7c: {  	v21 =	vsel vm3, v31, v23;
	v13 =	vsel vm3, v52, v13;
	vm3 =	vge.f32 v28, v20  }
0x7d: {  	v23 =	vperm.xlane v30, v3;
	v20 =	vsel vm3, v28, v20;
	v14 =	vsel vm3, v25, v14  }
0x7e: {  	v18 =	vsel vm2, v24, v18;
	v20 =	vsel vm0, v21, v20;
	v13 =	vsel vm0, v13, v14  }
0x7f: {  	v14 =	vsel vm1, v19, v22;
	v19 =	vsel vm2, v23, v26;
	(xrf1) =	vsort.dscd.msk.f32 $0xffff, v20, v13  }
0x80: {  	v13 =	vsel vm0, v16, v18;
	v14 =	vsel vm0, v14, v19  }
0x81: {  	(xrf1) =	vsort.dscd.msk.f32 $0xffff, v13, v14;
	_ =	sdelay $0x4  }
0x82: {  	s23 =	sshll.u32 s23, $0x7;
	v13 =	vand.u32 $0xFFFFFF80, v33  }
0x83: {  	v14 =	vand.u32 $0x7F, v33;
	v13 =	vadd.s32 s23, v13  }
0x84: {  	v16 =	vand.u32 $0xFFFFFF80, v27;
	s23 =	sadd.s32 $0x80, s23;
	v13 =	vor.u32 v14, v13  }
0x85: {  	v14 =	vld.idx.msk [tilespmem:v15+s3+$0x0], $0xffff;
	v15 =	vand.u32 $0x7F, v27;
	v16 =	vadd.s32 s23, v16;
	_, v18, _ =	vpop (xrf1)  }
0x86: {  	s22 =	sshll.u32 s22, $0x7;
	v15 =	vor.u32 v15, v16;
	v16 =	vand.u32 $0xFFFFFF80, v18  }
0x87: {  	v17 =	vld.idx.msk [tilespmem:v17+s3+$0x0], $0xffff;
	_, v19, _ =	vpop (xrf1);
	v20 =	vand.u32 $0x7F, v18;
	v16 =	vadd.s32 s22, v16  }
0x88: {  	v21 =	vand.u32 $0xFFFFFF80, v19;
	s22 =	sadd.s32 $0x80, s22;
	v16 =	vor.u32 v20, v16  }
0x89: {  	v13 =	vld.idx.msk [tilespmem:v13+s3+$0x0], $0xffff;
	v20 =	vand.u32 $0x7F, v19;
	v21 =	vadd.s32 s22, v21;
	_, v22, _ =	vpop (xrf1)  }
0x8a: {  	s20 =	sshll.u32 s20, $0x7;
	[tilespmem:s21+$0xFFFFFF80] =	vst v14;
	v14 =	vor.u32 v20, v21;
	v20 =	vand.u32 $0xFFFFFF80, v22  }
0x8b: {  	[tilespmem:s19+$0xFFFFFF80] =	vst v11;
	v11 =	vld.idx.msk [tilespmem:v15+s3+$0x0], $0xffff;
	_, v15, _ =	vpop (xrf1);
	v21 =	vand.u32 $0x7F, v22;
	v20 =	vadd.s32 s20, v20  }
0x8c: {  	[tilespmem:s21+$0x0] =	vst v17;
	v17 =	vand.u32 $0xFFFFFF80, v15;
	s20 =	sadd.s32 $0x80, s20;
	v20 =	vor.u32 v21, v20  }
0x8d: {  	s18 =	sadd.s32 $0x100, s18;
	[tilespmem:s19+$0x0] =	vst v12;
	v12 =	vld.idx.msk [tilespmem:v16+s3+$0x0], $0xffff;
	v16 =	vand.u32 $0x7F, v15;
	v17 =	vadd.s32 s20, v17  }
0x8e: {  	s17 =	sadd.s32 $0x100, s17;
	[tilespmem:s18+$0xFFFFFF80] =	vst v13;
	v13 =	vor.u32 v16, v17  }
0x8f: {  	[tilespmem:s17+$0xFFFFFF80] =	vst v33;
	v14 =	vld.idx.msk [tilespmem:v14+s3+$0x0], $0xffff  }
0x90: {  	[tilespmem:s18+$0x0] =	vst v11  }
0x91: {  	s18 =	sadd.s32 $0x100, s18;
	[tilespmem:s17+$0x0] =	vst v27;
	v11 =	vld.idx.msk [tilespmem:v20+s3+$0x0], $0xffff  }
0x92: {  	s17 =	sadd.s32 $0x100, s17;
	[tilespmem:s18+$0xFFFFFF80] =	vst v12  }
0x93: {  	[tilespmem:s17+$0xFFFFFF80] =	vst v18;
	v12 =	vld.idx.msk [tilespmem:v13+s3+$0x0], $0xffff  }
0x94: {  	[tilespmem:s18+$0x0] =	vst v14  }
0x95: {  	s18 =	sadd.s32 $0x100, s18;
	[tilespmem:s17+$0x0] =	vst v19  }
0x96: {  	s17 =	sadd.s32 $0x100, s17;
	[tilespmem:s18+$0xFFFFFF80] =	vst v11  }
0x97: {  	[tilespmem:s17+$0xFFFFFF80] =	vst v22  }
0x98: {  	[tilespmem:s18+$0x0] =	vst v12  }
0x99: {  	[tilespmem:s17+$0x0] =	vst v15  }
0x9a: {  	_ =	swait.ge [sflag:s13], $0x4000  }
0x9b: {  	[sflag:s13] =	ssyncset.done $0x0  }
0x9c: {  	s17 =	simm.s32 $0x0;
	[sflag:s13] =	ssyncadd.s32 $0xFFFFC000  }
0x9d: {  	v11 =	vld [tilespmem:s17+$0x4000]  }
0x9e: {  	v12 =	vld [tilespmem:s17+$0x4020]  }
0x9f: {  	v13 =	vld [tilespmem:s17+$0x4090]  }
0xa0: {  	v14 =	vld [tilespmem:s17+$0x40A0]  }
0xa1: {  	v15 =	vld [tilespmem:s17+$0x4030]  }
0xa2: {  	v16 =	vld [tilespmem:s17+$0x40B0];
	v11 =	vadd.f32 v11, v7  }
0xa3: {  	v17 =	vld [tilespmem:s17+$0x4010];
	v12 =	vadd.f32 v12, v9  }
0xa4: {  	v13 =	vadd.f32 v13, v8;
	(xrf1) =	vsort.dscd.msk.f32 $0xffff, v11, v0;
	v11 =	vld [tilespmem:s17+$0x4080]  }
0xa5: {  	v14 =	vadd.f32 v14, v9;
	(xrf1) =	vsort.dscd.msk.f32 $0xffff, v12, v2  }
0xa6: {  	v12 =	vadd.f32 v15, v10;
	(xrf1) =	vsort.dscd.msk.f32 $0xffff, v13, v1  }
0xa7: {  	s18 =	simm.s32 $0x100;
	v13 =	vadd.f32 v16, v10;
	(xrf1) =	vsort.dscd.msk.f32 $0xffff, v14, v2  }
0xa8: {  	s19 =	simm.s32 $0x200;
	v18 =	vld [tilespmem:s18+$0x4010];
	(xrf1) =	vsort.dscd.msk.f32 $0xffff, v12, v4;
	v12 =	vadd.f32 v17, v8  }
0xa9: {  	v31 =	vld [tilespmem:s19+$0x40A0];
	v11 =	vadd.f32 v11, v7;
	(xrf1) =	vsort.dscd.msk.f32 $0xffff, v13, v4  }
0xaa: {  	v15 =	vld [tilespmem:s18+$0x4000];
	(xrf1) =	vsort.dscd.msk.f32 $0xffff, v12, v1  }
0xab: {  	v16 =	vld [tilespmem:s18+$0x4020];
	(xrf1) =	vsort.dscd.msk.f32 $0xffff, v11, v0  }
0xac: {  	v14 =	vld [tilespmem:s18+$0x4090]  }
0xad: {  	v12 =	vld [tilespmem:s18+$0x40A0]  }
0xae: {  	v11 =	vld [tilespmem:s18+$0x4030]  }
0xaf: {  	v17 =	vld [tilespmem:s18+$0x40B0];
	v15 =	vadd.f32 v15, v7  }
0xb0: {  	v16 =	vadd.f32 v16, v9  }
0xb1: {  	v13 =	vld [tilespmem:s18+$0x4080];
	v14 =	vadd.f32 v14, v8;
	(xrf1) =	vsort.dscd.msk.f32 $0xffff, v15, v0  }
0xb2: {  	v18 =	vadd.f32 v18, v8;
	v12 =	vadd.f32 v12, v9;
	v19, v20, _ =	vpop (xrf1);
	(xrf1) =	vsort.dscd.msk.f32 $0xffff, v16, v2  }
0xb3: {  	v31 =	vadd.f32 v31, v9;
	v11 =	vadd.f32 v11, v10;
	v21, v22, _ =	vpop (xrf1);
	(xrf1) =	vsort.dscd.msk.f32 $0xffff, v14, v1  }
0xb4: {  	v15 =	vadd.f32 v17, v10;
	v17, v23, _ =	vpop (xrf1);
	v14 =	vperm.xlane v21, v3;
	(xrf1) =	vsort.dscd.msk.f32 $0xffff, v12, v2  }
0xb5: {  	v16, v24, _ =	vpop (xrf1);
	v12 =	vperm.xlane v17, v5;
	(xrf1) =	vsort.dscd.msk.f32 $0xffff, v11, v4;
	v11 =	vperm.xlane v22, v3  }
0xb6: {  	v13 =	vadd.f32 v13, v7;
	v17 =	vld [tilespmem:s19+$0x4000];
	v16 =	vperm.xlane v16, v3;
	v25, v26, _ =	vpop (xrf1);
	v24 =	vperm.xlane v24, v3  }
0xb7: {  	v29 =	vld [tilespmem:s19+$0x4080];
	(xrf1) =	vsort.dscd.msk.f32 $0xffff, v15, v4;
	v26 =	vperm.xlane v26, v6;
	v27, v28, _ =	vpop (xrf1);
	v22 =	vperm.xlane v25, v6  }
0xb8: {  	v54 =	vld [tilespmem:s19+$0x4020];
	(xrf1) =	vsort.dscd.msk.f32 $0xffff, v18, v1;
	v18 =	vperm.xlane v23, v5;
	v25, v30, _ =	vpop (xrf1);
	v15 =	vperm.xlane v27, v6  }
0xb9: {  	v53 =	vld [tilespmem:s19+$0x40B0];
	(xrf1) =	vsort.dscd.msk.f32 $0xffff, v13, v0;
	v13 =	vperm.xlane v28, v6;
	v23, v27, _ =	vpop (xrf1);
	v25 =	vperm.xlane v25, v5  }
0xba: {  	v21 =	vld [tilespmem:s19+$0x4090];
	v28 =	vperm.xlane v30, v5;
	vm4 =	vge.f32 v14, v22;
	vm1 =	vge.f32 v23, v12  }
0xbb: {  	v30 =	vld [tilespmem:s19+$0x4030];
	vm2 =	vge.f32 v16, v15;
	v17 =	vadd.f32 v17, v7;
	v14 =	vsel vm4, v14, v22  }
0xbc: {  	v22 =	vadd.f32 v29, v7;
	v11 =	vsel vm4, v11, v26;
	v18 =	vsel vm1, v27, v18  }
0xbd: {  	v27 =	vld [tilespmem:s19+$0x4010];
	vm3 =	vge.f32 v19, v25;
	(xrf1) =	vsort.dscd.msk.f32 $0xffff, v17, v0;
	v17 =	vadd.f32 v54, v9  }
0xbe: {  	v12 =	vsel vm1, v23, v12;
	v15 =	vsel vm2, v16, v15;
	v13 =	vsel vm2, v24, v13  }
0xbf: {  	s20 =	simm.s32 $0x300;
	v16 =	vadd.f32 v21, v8;
	v21 =	vadd.f32 v53, v10;
	v13 =	vsel vm0, v18, v13  }
0xc0: {  	v19 =	vsel vm3, v19, v25;
	v12 =	vsel vm0, v12, v15;
	v25 =	vadd.f32 v30, v10;
	v30 =	vld [tilespmem:s20+$0x40A0]  }
0xc1: {  	v23, v24, _ =	vpop (xrf1);
	v14 =	vsel vm0, v19, v14;
	v19 =	vsel vm3, v20, v28;
	(xrf1) =	vsort.dscd.msk.f32 $0xffff, v17, v2  }
0xc2: {  	v11 =	vsel vm0, v19, v11;
	(xrf1) =	vsort.dscd.msk.f32 $0xffff, v12, v13;
	v18 =	vadd.f32 v27, v8;
	v15, v17, _ =	vpop (xrf1)  }
0xc3: {  	(xrf1) =	vsort.dscd.msk.f32 $0xffff, v16, v1;
	v12, v13, _ =	vpop (xrf1);
	v15 =	vperm.xlane v15, v3;
	v17 =	vperm.xlane v17, v3  }
0xc4: {  	(xrf1) =	vsort.dscd.msk.f32 $0xffff, v31, v2;
	v16, v20, _ =	vpop (xrf1);
	v12 =	vperm.xlane v12, v5;
	v13 =	vperm.xlane v13, v5  }
0xc5: {  	v30 =	vadd.f32 v30, v9;
	v16 =	vperm.xlane v16, v3;
	v26, v27, _ =	vpop (xrf1);
	(xrf1) =	vsort.dscd.msk.f32 $0xffff, v14, v11  }
0xc6: {  	v56 =	vld [tilespmem:s20+$0x4020];
	v20 =	vperm.xlane v20, v3;
	v14 =	vperm.xlane v27, v6;
	v27, v28, _ =	vpop (xrf1);
	(xrf1) =	vsort.dscd.msk.f32 $0xffff, v25, v4  }
0xc7: {  	v11 =	vld [tilespmem:s20+$0x4000];
	v26 =	vperm.xlane v26, v6;
	v25, v29, _ =	vpop (xrf1);
	(xrf1) =	vsort.dscd.msk.f32 $0xffff, v21, v4;
	v21 =	vperm.xlane v27, v6  }
0xc8: {  	v19 =	vld [tilespmem:s20+$0x4090];
	(xrf1) =	vsort.dscd.msk.f32 $0xffff, v18, v1;
	v18, v31, _ =	vpop (xrf1);
	v25 =	vperm.xlane v25, v5;
	v29 =	vperm.xlane v29, v5  }
0xc9: {  	v27 =	vld [tilespmem:s20+$0x4080];
	vm14 =	vge.f32 v15, v26;
	vm1 =	vge.f32 v18, v12;
	vm2 =	vge.f32 v16, v21  }
0xca: {  	(xrf1) =	vsort.dscd.msk.f32 $0xffff, v22, v0;
	v22 =	vperm.xlane v28, v6;
	v15 =	vsel vm14, v15, v26  }
0xcb: {  	v55 =	vld [tilespmem:s20+$0x40B0];
	v14 =	vsel vm14, v17, v14;
	v13 =	vsel vm1, v31, v13;
	vm3 =	vge.f32 v23, v25  }
0xcc: {  	v28 =	vld [tilespmem:s20+$0x4010];
	v11 =	vadd.f32 v11, v7;
	v12 =	vsel vm1, v18, v12;
	v16 =	vsel vm2, v16, v21  }
0xcd: {  	v31 =	vld [tilespmem:s20+$0x4030];
	v18 =	vadd.f32 v19, v8;
	v19 =	vadd.f32 v56, v9;
	v23 =	vsel vm3, v23, v25  }
0xce: {  	v26 =	vadd.f32 v27, v7;
	v27, v57, _ =	vpop (xrf1);
	(xrf1) =	vsort.dscd.msk.f32 $0xffff, v11, v0;
	v11 =	vsel vm2, v20, v22  }
0xcf: {  	v12 =	vsel vm0, v12, v16;
	v11 =	vsel vm0, v13, v11;
	(xrf1) =	vsort.dscd.msk.f32 $0xffff, v19, v2;
	v21, v22, _ =	vpop (xrf1)  }
0xd0: {  	v24 =	vsel vm3, v24, v29;
	v20 =	vadd.f32 v55, v10;
	(xrf1) =	vsort.dscd.msk.f32 $0xffff, v12, v11;
	_, v16, _ =	vpop (xrf1)  }
0xd1: {  	v15 =	vsel vm0, v23, v15;
	v13 =	vadd.f32 v28, v8;
	(xrf1) =	vsort.dscd.msk.f32 $0xffff, v18, v1;
	v19, v28, _ =	vpop (xrf1)  }
0xd2: {  	s21 =	simm.s32 $0x400;
	v14 =	vsel vm0, v24, v14;
	v25 =	vadd.f32 v31, v10;
	(xrf1) =	vsort.dscd.msk.f32 $0xffff, v30, v2;
	v31, v58, _ =	vpop (xrf1)  }
0xd3: {  	v12 =	vperm.xlane v21, v3;
	v35 =	vperm.xlane v22, v3;
	v23 =	vand.u32 $0xFFFFFF80, v16;
	(xrf1) =	vsort.dscd.msk.f32 $0xffff, v15, v14;
	v15 =	vld [tilespmem:s21+$0x4000];
	_, v18, _ =	vpop (xrf1)  }
0xd4: {  	v11 =	vand.u32 $0x7F, v16;
	v19 =	vperm.xlane v19, v5;
	v17 =	vperm.xlane v31, v3;
	v21, v29, _ =	vpop (xrf1)  }
0xd5: {  	s30 =	simm.s32 $0x4080;
	v30 =	vld [tilespmem:s21+$0x4090];
	(xrf1) =	vsort.dscd.msk.f32 $0xffff, v25, v4;
	v24 =	vand.u32 $0x7F, v18;
	v14 =	vand.u32 $0xFFFFFF80, v18;
	v59 =	vperm.xlane v29, v6  }
0xd6: {  	s31 =	simm.s32 $0x4000;
	v36 =	vld [tilespmem:s21+$0x40A0];
	(xrf1) =	vsort.dscd.msk.f32 $0xffff, v20, v4;
	v29 =	vperm.xlane v58, v3;
	v31, v60, _ =	vpop (xrf1);
	v22 =	vperm.xlane v21, v6;
	v21 =	vadd.s32 s30, v23  }
0xd7: {  	v38 =	vld [tilespmem:s21+$0x4010];
	v14 =	vadd.s32 s31, v14;
	v23, v25, _ =	vpop (xrf1);
	v20 =	vperm.xlane v31, v6;
	v11 =	vor.u32 v11, v21;
	(xrf1) =	vsort.dscd.msk.f32 $0xffff, v13, v1  }
0xd8: {  	v37 =	vld [tilespmem:s21+$0x4020];
	v13 =	vperm.xlane v28, v5;
	v14 =	vor.u32 v24, v14;
	v41 =	vadd.f32 v15, v7  }
0xd9: {  	v31 =	vld [tilespmem:s21+$0x4080];
	v23 =	vperm.xlane v23, v5;
	v39 =	vperm.xlane v25, v5;
	vm2 =	vge.f32 v12, v22  }
0xda: {  	v40 =	vld [tilespmem:s21+$0x4030];
	v25 =	vadd.f32 v30, v8;
	vm15 =	vge.f32 v17, v20;
	v62 =	vsel vm2, v12, v22;
	v28, v21, _ =	vpop (xrf1)  }
0xdb: {  	v24 =	vld [tilespmem:s21+$0x40B0];
	(xrf1) =	vsort.dscd.msk.f32 $0xffff, v26, v0;
	v26 =	vperm.xlane v60, v6;
	vm3 =	vge.f32 v28, v19  }
0xdc: {  	v22 =	vadd.f32 v38, v8;
	vm1 =	vge.f32 v27, v23;
	v12 =	vld.idx.msk [tilespmem:v11+s3+$0x0], $0xffff;
	v11 =	vsel vm3, v28, v19  }
0xdd: {  	v32 =	vsel vm2, v35, v59;
	v30 =	vsel vm1, v57, v39;
	v61 =	vsel vm3, v21, v13  }
0xde: {  	v21 =	vadd.f32 v36, v9;
	v15 =	vadd.f32 v31, v7;
	v28 =	vsel vm15, v17, v20;
	v19, v17, _ =	vpop (xrf1);
	v13 =	vld.idx.msk [tilespmem:v14+s3+$0x0], $0xffff  }
0xdf: {  	(xrf1) =	vsort.dscd.msk.f32 $0xffff, v41, v0;
	v14 =	vsel vm15, v29, v26;
	[tilespmem:s17+$0x14080] =	vst v18;
	v29 =	vadd.f32 v37, v9;
	v26, v18, _ =	vpop (xrf1)  }
0xe0: {  	v20 =	vadd.f32 v24, v10;
	[tilespmem:s17+$0x14100] =	vst v16;
	v24 =	vadd.f32 v40, v10;
	v16 =	vsel vm0, v11, v28;
	_, v11, _ =	vpop (xrf1)  }
0xe1: {  	s25 =	simm.s32 $0x82;
	s24 =	simm.s32 $0x84;
	s26 =	simm.s32 $0x8A;
	v63 =	vsel vm0, v61, v14;
	v14 =	vsel vm1, v27, v23;
	(xrf1) =	vsort.dscd.msk.f32 $0xffff, v29, v2;
	v28, v23, _ =	vpop (xrf1)  }
0xe2: {  	s28 =	simm.s32 $0x1400;
	s23 =	simm.s32 $0x86;
	s22 =	simm.s32 $0x88;
	v29 =	vsel vm0, v14, v62;
	v14 =	vand.u32 $0xFFFFFF80, v11;
	v31, v27, _ =	vpop (xrf1);
	(xrf1) =	vsort.dscd.msk.f32 $0xffff, v16, v63;
	v16 =	vand.u32 $0x7F, v11  }
.LBB2_4:
0xe3: {  	s29 =	sshra.s32 s28, $0x2;
	(xrf1) =	vsort.dscd.msk.f32 $0xffff, v25, v1;
	v25 =	vperm.xlane v26, v3  }
0xe4: {  	p0 =	slt.u32 s26, $0xFE;
	v26 =	vperm.xlane v31, v3;
	_, v31, _ =	vpop (xrf1);
	[tilespmem:s17+$0xC080] =	vst v13;
	v33 =	vmov v19;
	v34 =	vmov v17;
	s30 =	smov.u32 s26;
	s26 =	sadd.s32 $0x2, s26  }
0xe5: {  	v13 =	vperm.xlane v28, v5;
	s31 =	sshll.u32 s25, $0x7;
	s25 =	smov.u32 s24;
	s24 =	smov.u32 s23;
	v35 =	vld [tilespmem:s29+$0x4090];
	(xrf1) =	vsort.dscd.msk.f32 $0xffff, v21, v2;
	v17, v19, _ =	vpop (xrf1);
	v21 =	vsel vm0, v30, v32;
	v28 =	vand.u32 $0x7F, v31  }
0xe6: {  	v27 =	vperm.xlane v27, v3;
	s23 =	smov.u32 s22;
	s1 =	sadd.s32 $0x80, s31;
	s22 =	smov.u32 s30;
	v30 =	vld [tilespmem:s29+$0x4000];
	v32 =	vperm.xlane v19, v6;
	v19, v36, _ =	vpop (xrf1);
	(xrf1) =	vsort.dscd.msk.f32 $0xffff, v29, v21;
	v21 =	vand.u32 $0xFFFFFF80, v31  }
0xe7: {  	v37 =	vperm.xlane v18, v3;
	v18 =	vperm.xlane v17, v6;
	v14 =	vadd.s32 s1, v14;
	v29 =	vld [tilespmem:s29+$0x4080];
	(xrf1) =	vsort.dscd.msk.f32 $0xffff, v24, v4;
	v17, v24, _ =	vpop (xrf1)  }
0xe8: {  	v14 =	vor.u32 v16, v14;
	v38 =	vld [tilespmem:s29+$0x40A0];
	(xrf1) =	vsort.dscd.msk.f32 $0xffff, v20, v4;
	v20 =	vperm.xlane v19, v6;
	v19 =	vadd.s32 s31, v21  }
0xe9: {  	v21 =	vperm.xlane v23, v5;
	v16 =	vld [tilespmem:s29+$0x4030];
	(xrf1) =	vsort.dscd.msk.f32 $0xffff, v22, v1;
	v22, v23, _ =	vpop (xrf1);
	v28 =	vor.u32 v28, v19;
	[tilespmem:s17+$0xC100] =	vst v12;
	s17 =	smov.u32 s18;
	s18 =	smov.u32 s19;
	s19 =	smov.u32 s20  }
0xea: {  	v40 =	vperm.xlane v17, v5;
	s20 =	smov.u32 s21;
	s21 =	smov.u32 s29;
	v39 =	vld [tilespmem:s29+$0x40B0];
	vm3 =	vge.f32 v22, v13;
	vm4 =	vge.f32 v26, v20  }
0xeb: {  	v36 =	vperm.xlane v36, v6;
	v41 =	vld [tilespmem:s21+$0x4020];
	(xrf1) =	vsort.dscd.msk.f32 $0xffff, v15, v0;
	v23 =	vsel vm3, v23, v21  }
0xec: {  	v43 =	vperm.xlane v24, v5;
	vm2 =	vge.f32 v25, v18;
	vm1 =	vge.f32 v33, v40;
	v42 =	vld [tilespmem:s21+$0x4010]  }
0xed: {  	v24 =	vadd.f32 v30, v7;
	v30 =	vsel vm2, v25, v18;
	v21 =	vadd.f32 v38, v9;
	v19, v17, _ =	vpop (xrf1);
	v12 =	vld.idx.msk [tilespmem:v14+s3+$0x0], $0xffff  }
0xee: {  	v15 =	vadd.f32 v29, v7;
	v29 =	vsel vm4, v26, v20;
	v14 =	vsel vm3, v22, v13;
	v13 =	vld.idx.msk [tilespmem:v28+s3+$0x0], $0xffff  }
.Ltmp1:
0xef: {  	v25 =	vadd.f32 v35, v8;
	v22 =	vsel vm4, v27, v36;
	(xrf1) =	vsort.dscd.msk.f32 $0xffff, v24, v0;
	[tilespmem:s17+$0x14080] =	vst v31;
	(pc) =	sbr.rel @p0 .LBB2_4-.Ltmp1, $4  }
0xf0: {  	v35 =	vsel vm0, v23, v22;
	v20 =	vadd.f32 v39, v10;
	v38 =	vadd.f32 v41, v9;
	v26, v18, _ =	vpop (xrf1);
	[tilespmem:s17+$0x14100] =	vst v11  }
0xf1: {  	v36 =	vsel vm1, v33, v40;
	v33 =	vsel vm0, v14, v29;
	v22 =	vadd.f32 v42, v8;
	_, v11, _ =	vpop (xrf1)  }
0xf2: {  	v29 =	vsel vm0, v36, v30;
	v24 =	vadd.f32 v16, v10;
	(xrf1) =	vsort.dscd.msk.f32 $0xffff, v38, v2;
	v28, v23, _ =	vpop (xrf1);
	v14 =	vand.u32 $0xFFFFFF80, v11  }
0xf3: {  	s28 =	sadd.s32 $0x400, s28;
	v32 =	vsel vm2, v37, v32;
	v30 =	vsel vm1, v34, v43;
	v16 =	vand.u32 $0x7F, v11;
	v31, v27, _ =	vpop (xrf1);
	(xrf1) =	vsort.dscd.msk.f32 $0xffff, v33, v35  }
0xf4: {  	(xrf1) =	vsort.dscd.msk.f32 $0xffff, v25, v1  }
0xf5: {  	v7 =	vsel vm0, v30, v32;
	(xrf1) =	vsort.dscd.msk.f32 $0xffff, v21, v2  }
0xf6: {  	(xrf1) =	vsort.dscd.msk.f32 $0xffff, v29, v7  }
0xf7: {  	(xrf1) =	vsort.dscd.msk.f32 $0xffff, v24, v4  }
0xf8: {  	(xrf1) =	vsort.dscd.msk.f32 $0xffff, v20, v4  }
0xf9: {  	v10 =	vperm.xlane v26, v3;
	_, v7, _ =	vpop (xrf1);
	(xrf1) =	vsort.dscd.msk.f32 $0xffff, v22, v1  }
0xfa: {  	v43 =	vperm.xlane v31, v3;
	v46 =	vperm.xlane v28, v5;
	v8, v9, _ =	vpop (xrf1);
	(xrf1) =	vsort.dscd.msk.f32 $0xffff, v15, v0  }
0xfb: {  	v49 =	vperm.xlane v27, v3;
	v23 =	vperm.xlane v23, v5;
	v45, v44, _ =	vpop (xrf1)  }
0xfc: {  	v18 =	vperm.xlane v18, v3;
	v8 =	vperm.xlane v8, v6;
	v48, v47, _ =	vpop (xrf1)  }
0xfd: {  	v9 =	vperm.xlane v9, v6;
	v24 =	vperm.xlane v48, v5  }
0xfe: {  	v20 =	vperm.xlane v45, v6;
	v21 =	vperm.xlane v44, v6;
	v51, v50, _ =	vpop (xrf1);
	vm2 =	vge.f32 v10, v8  }
0xff: {  	v25 =	vperm.xlane v47, v5;
	vm1 =	vge.f32 v51, v46;
	v53, v52, _ =	vpop (xrf1);
	vm3 =	vge.f32 v19, v24  }
0x100: {  	v8 =	vsel vm2, v10, v8;
	v9 =	vsel vm2, v18, v9;
	v19 =	vsel vm3, v19, v24;
	v55, v54, _ =	vpop (xrf1)  }
0x101: {  	v23 =	vsel vm1, v50, v23;
	v22 =	vsel vm1, v51, v46;
	vm1 =	vge.f32 v43, v20;
	_, v10, _ =	vpop (xrf1)  }
0x102: {  	v15 =	vsel vm1, v43, v20;
	v56 =	vsel vm1, v49, v21;
	v17 =	vsel vm3, v17, v25;
	v21, v26, _ =	vpop (xrf1)  }
0x103: {  	v20 =	vsel vm0, v23, v56;
	v15 =	vsel vm0, v22, v15;
	v59 =	vperm.xlane v55, v3;
	v57, v58, _ =	vpop (xrf1)  }
0x104: {  	v8 =	vsel vm0, v19, v8;
	v36 =	vperm.xlane v54, v3;
	v63 =	vperm.xlane v21, v5;
	_, v19, _ =	vpop (xrf1)  }
0x105: {  	v9 =	vsel vm0, v17, v9;
	v39 =	vperm.xlane v26, v5;
	v60 =	vperm.xlane v57, v3;
	v62, v61, _ =	vpop (xrf1)  }
0x106: {  	(xrf1) =	vsort.dscd.msk.f32 $0xffff, v15, v20;
	v35 =	vperm.xlane v58, v3;
	v32 =	vperm.xlane v61, v6;
	v33, v34, _ =	vpop (xrf1)  }
0x107: {  	(xrf1) =	vsort.dscd.msk.f32 $0xffff, v8, v9;
	v23 =	vperm.xlane v62, v6;
	v37, v38, _ =	vpop (xrf1);
	v8 =	vperm.xlane v33, v6  }
0x108: {  	v25 =	vperm.xlane v34, v6;
	v40, v41, _ =	vpop (xrf1);
	v27 =	vperm.xlane v37, v5  }
0x109: {  	v42 =	vperm.xlane v38, v5;
	vm1 =	vge.f32 v40, v63;
	vm2 =	vge.f32 v60, v8  }
0x10a: {  	v9 =	vsel vm1, v41, v39;
	v15 =	vsel vm1, v40, v63;
	vm1 =	vge.f32 v59, v23  }
0x10b: {  	vm3 =	vge.f32 v53, v27;
	v17 =	vsel vm2, v35, v25;
	v8 =	vsel vm2, v60, v8  }
0x10c: {  	v18 =	vsel vm1, v59, v23;
	v9 =	vsel vm0, v9, v17;
	v43 =	vsel vm3, v53, v27  }
0x10d: {  	v8 =	vsel vm0, v15, v8;
	v44 =	vsel vm3, v52, v42;
	v20 =	vsel vm1, v36, v32  }
0x10e: {  	v17 =	vsel vm0, v43, v18;
	(xrf1) =	vsort.dscd.msk.f32 $0xffff, v8, v9;
	v8 =	vsel vm0, v44, v20  }
0x10f: {  	(xrf1) =	vsort.dscd.msk.f32 $0xffff, v17, v8  }
0x110: {  	s1 =	sshll.u32 s25, $0x7  }
0x111: {  	s25 =	sadd.s32 $0x80, s1  }
0x112: {  	v14 =	vadd.s32 s25, v14  }
0x113: {  	s26 =	sshll.u32 s24, $0x7;
	v46 =	vor.u32 v16, v14;
	v47 =	vand.u32 $0xFFFFFF80, v19  }
0x114: {  	v49 =	vand.u32 $0x7F, v19;
	v14 =	vadd.s32 s26, v47;
	v8 =	vand.u32 $0xFFFFFF80, v7  }
0x115: {  	v45 =	vand.u32 $0x7F, v7;
	v14 =	vor.u32 v49, v14;
	v8 =	vadd.s32 s1, v8  }
0x116: {  	v8 =	vor.u32 v45, v8;
	_, v51, _ =	vpop (xrf1)  }
0x117: {  	_, v52, _ =	vpop (xrf1)  }
0x118: {  	s28 =	sshll.u32 s23, $0x7;
	v48 =	vand.u32 $0xFFFFFF80, v10;
	v53 =	vand.u32 $0xFFFFFF80, v52  }
0x119: {  	[tilespmem:s17+$0xC080] =	vst v13;
	s24 =	sadd.s32 $0x80, s26;
	v50 =	vand.u32 $0x7F, v10;
	v9 =	vld.idx.msk [tilespmem:v46+s3+$0x0], $0xffff;
	v55 =	vand.u32 $0x7F, v52;
	v13 =	vadd.s32 s28, v53  }
0x11a: {  	[tilespmem:s17+$0xC100] =	vst v12;
	s29 =	sadd.s32 $0x80, s28;
	v15 =	vadd.s32 s24, v48;
	v57 =	vld.idx.msk [tilespmem:v14+s3+$0x0], $0xffff;
	v54 =	vand.u32 $0xFFFFFF80, v51;
	v13 =	vor.u32 v55, v13  }
0x11b: {  	v15 =	vor.u32 v50, v15;
	v12 =	vadd.s32 s29, v54;
	v8 =	vld.idx.msk [tilespmem:v8+s3+$0x0], $0xffff;
	[tilespmem:s18+$0x14080] =	vst v7;
	v7 =	vand.u32 $0x7F, v51  }
0x11c: {  	s30 =	sshll.u32 s22, $0x7;
	[tilespmem:s18+$0x14100] =	vst v11;
	v7 =	vor.u32 v7, v12;
	_, v56, _ =	vpop (xrf1)  }
0x11d: {  	s31 =	sadd.s32 $0x80, s30;
	[tilespmem:s19+$0x14080] =	vst v19;
	_, v58, _ =	vpop (xrf1);
	v60 =	vand.u32 $0xFFFFFF80, v56  }
0x11e: {  	[tilespmem:s18+$0xC100] =	vst v9;
	v62 =	vand.u32 $0x7F, v56;
	v59 =	vand.u32 $0xFFFFFF80, v58;
	v9 =	vadd.s32 s31, v60  }
0x11f: {  	[tilespmem:s19+$0xC080] =	vst v57;
	v63 =	vld.idx.msk [tilespmem:v13+s3+$0x0], $0xffff;
	v61 =	vand.u32 $0x7F, v58;
	v14 =	vadd.s32 s30, v59;
	v9 =	vor.u32 v62, v9  }
0x120: {  	[tilespmem:s18+$0xC080] =	vst v8;
	v8 =	vld.idx.msk [tilespmem:v15+s3+$0x0], $0xffff;
	v14 =	vor.u32 v61, v14  }
0x121: {  	[tilespmem:s20+$0x14080] =	vst v52;
	v7 =	vld.idx.msk [tilespmem:v7+s3+$0x0], $0xffff  }
0x122: {  	[tilespmem:s19+$0x14100] =	vst v10  }
0x123: {  	[tilespmem:s20+$0x14100] =	vst v51  }
0x124: {  	[tilespmem:s20+$0xC080] =	vst v63;
	v9 =	vld.idx.msk [tilespmem:v9+s3+$0x0], $0xffff  }
0x125: {  	[tilespmem:s19+$0xC100] =	vst v8;
	v8 =	vld.idx.msk [tilespmem:v14+s3+$0x0], $0xffff  }
0x126: {  	[tilespmem:s20+$0xC100] =	vst v7  }
0x127: {  	[tilespmem:s21+$0x14100] =	vst v56  }
0x128: {  	[tilespmem:s21+$0x14080] =	vst v58  }
0x129: {  	[tilespmem:s21+$0xC100] =	vst v9  }
0x12a: {  	[tilespmem:s21+$0xC080] =	vst v8  }
0x12b: {  	[hbm4b:s6+s3] =	stream.linear.scatter [tilespmem:s14], [sflag:$0x3], $0x8000, $0x38;
	[tilespmem:$0x18080] =	vst v63  }
0x12c: {  	s16 =	sadd.s32 $0x1, s16;
	_ =	swait.ge [sflag:s11], $0x8000  }
0x12d: {  	p0 =	sne.s32 s16, s8;
	[sflag:s11] =	ssyncset.done $0x0  }
.Ltmp2:
0x12e: {  	[sflag:s11] =	ssyncadd.s32 $0xFFFF8000;
	(pc) =	sbr.rel @p0 .LBB2_1-.Ltmp2, $4  }
0x12f: {  	[hbm4b:s7+s3] =	stream.linear.scatter [tilespmem:s15], [sflag:$0x3], $0x8000, $0x38;
	[tilespmem:$0x18080] =	vst v63  }
0x130: {  	_ =	swait.ge [sflag:s11], $0x8000  }
0x131: {  	[sflag:s11] =	ssyncset.done $0x0  }
0x132: {  	[sflag:s11] =	ssyncadd.s32 $0xFFFF8000  }
0x133: {  	_ =	sfence.sel $0x180000  }
0x134: {  	[bflag:$0x0] =	sbarrier.arrive $0xFFFF  }
0x135: {  	_ =	strace $0x90000047  }
0x136: {  	[bflag:$0x2] =	sbarrier.arrive $0xFFFF  }
0x137: {  	p0 =	sne.s32 s0, $0x0;
	s0 =	rddreg [dreg:$0x2]  }
0x138: {  	s0 =	sadd.s32 @!p0 $0x100000, s0  }
0x139: {  	[sflag:s0] =	ssyncadd.tile.s32 @!p0 $0x1;
	_ =	shalt  }
.Lfunc_end2:
_tile_overlayer_lowered:
.L_overlay_start_2:
0x13a: {  	(tag) =	ssettag $0x2  }
0x13b: {  	s0 =	rddreg [dreg:$0x0];
	s2 =	stileid.u32  }
0x13c: {  	s1 =	rddreg [dreg:$0x1];
	p0 =	sne.s32 s2, $0x0  }
0x13d: {  	s3 =	rddreg [dreg:$0x2];
	[bflag:$0x3] =	sbarrier.arrive $0xFFFF;
	s2 =	simm.s32 @!p0 $0x1C03  }
0x13e: {  	[timem:s3], [sflag:s2] =	dma.local @!p0 [hbm:s0], s1  }
0x13f: {  	s0 =	simm.s32 @!p0 $0x3  }
0x140: {  	_ =	swait.ge @!p0 [sflag:s0], s1  }
0x141: {  	s1 =	ssub.s32 @!p0 $0x0, s1;
	[sflag:s0] =	ssyncset.done @!p0 $0x0  }
0x142: {  	[sflag:s0] =	ssyncadd.s32 @!p0 s1  }
0x143: {  	[bflag:$0x3] =	sbarrier.arrive $0xFFFF  }
0x144: {  	_ =	shalt  }

</sc_bundles>
